<compile_context>
chip_gen: v7x
topology: tpu7x:2x2x1
jax: 0.10.2.dev20260603
libtpu: 0.0.44.dev20260713+nightly
codegen_flags: <defaults>
</compile_context>

<pallas_src>
import jax
import jax.numpy as jnp
from jax import lax
from jax.experimental import pallas as pl
from jax.experimental.pallas import tpu as pltpu
from jax.experimental.pallas import tpu_sc as plsc

N = 10000
NP = 10240
E = 320000
D = 128
HD = D // 2
G = 64
EPT = E // 16
CH = 125
NCH = EPT // CH
RPT = NP // 16
BLK = 1280
GRID = NP // BLK
NW_DEG = 32

_mesh = plsc.VectorSubcoreMesh(core_axis_name="c", subcore_axis_name="s")


def _deg_body(dst_hbm, degp_hbm, dstb, ones, zbuf, dacc, dsem):
    c = lax.axis_index("c")
    s = lax.axis_index("s")
    wid = c * 16 + s

    for k in range(8):
        ones[pl.ds(16 * k, 16)] = jnp.ones((16,), jnp.float32)

    def _zb(r, carry):
        zbuf[pl.ds(r * 16, 16)] = jnp.zeros((16,), jnp.float32)
        return carry

    lax.fori_loop(0, RPT // 16, _zb, 0)
    pltpu.sync_copy(zbuf, dacc.at[pl.ds(s * RPT, RPT)])
    pltpu.sync_copy(dst_hbm.at[wid], dstb)
    plsc.subcore_barrier()

    def _scat(i, carry):
        for b in range(8):
            pltpu.async_copy(ones.at[pl.ds(0, CH)],
                             dacc.at[dstb.at[i * 8 + b]], dsem, add=True)
        for b in range(8):
            pltpu.make_async_copy(ones.at[pl.ds(0, CH)],
                                  dacc.at[dstb.at[i * 8 + b]], dsem).wait()
        return carry

    lax.fori_loop(0, (EPT // 2) // CH // 8, _scat, 0)
    plsc.subcore_barrier()
    pltpu.sync_copy(dacc.at[pl.ds(s * RPT, RPT)],
                    degp_hbm.at[c, 0, pl.ds(s * RPT, RPT)])


_degree = pl.kernel(
    _deg_body,
    out_type=jax.ShapeDtypeStruct((2, 1, NP), jnp.float32),
    mesh=_mesh,
    scratch_types=[
        pltpu.VMEM((EPT // 2 // CH, CH), jnp.int32),
        pltpu.VMEM((128,), jnp.float32),
        pltpu.VMEM((RPT,), jnp.float32),
        pltpu.VMEM_SHARED((NP,), jnp.float32),
        pltpu.SemaphoreType.DMA,
    ],
)


MBLK = 2000


def _mms_body(x_ref, w_ref, d0_ref, d1_ref, o_ref):
    xs = x_ref[...] * lax.rsqrt(d0_ref[...] + d1_ref[...] + 1.0)
    g = jnp.dot(xs, w_ref[...], preferred_element_type=jnp.float32)
    o_ref[0] = g[:, :HD]
    o_ref[1] = g[:, HD:]


_mm_scale = pl.pallas_call(
    _mms_body,
    grid=(N // MBLK,),
    in_specs=[
        pl.BlockSpec((MBLK, D), lambda i: (i, 0)),
        pl.BlockSpec((D, D), lambda i: (0, 0)),
        pl.BlockSpec((MBLK, 1), lambda i: (i, 0)),
        pl.BlockSpec((MBLK, 1), lambda i: (i, 0)),
    ],
    out_specs=pl.BlockSpec((2, MBLK, HD), lambda i: (0, i, 0)),
    out_shape=jax.ShapeDtypeStruct((2, NP, HD), jnp.float32),
)


def _msg_body(src_hbm, dst_hbm, g_hbm, acc_hbm, srcb, dstb,
              r0, r1, r2, r3, r4, zbuf, acc,
              g0, g1, g2, g3, g4, s0, s1, s2, s3, s4):
    c = lax.axis_index("c")
    s = lax.axis_index("s")
    rows = [r0, r1, r2, r3, r4]
    gsem = [g0, g1, g2, g3, g4]
    ssem = [s0, s1, s2, s3, s4]
    gh = g_hbm.at[c]

    def _zr(r, carry):
        for k in range(HD // 16):
            zbuf[r, pl.ds(16 * k, 16)] = jnp.zeros((16,), jnp.float32)
        return carry

    lax.fori_loop(0, 128, _zr, 0)
    for k in range(RPT // 128):
        pltpu.sync_copy(zbuf, acc.at[pl.ds(s * RPT + k * 128, 128)])
    pltpu.sync_copy(src_hbm.at[s], srcb)
    pltpu.sync_copy(dst_hbm.at[s], dstb)

    def _gather(j, b):
        pltpu.async_copy(gh.at[srcb.at[j]], rows[b], gsem[b])

    def _gather_wait(j, b):
        pltpu.make_async_copy(gh.at[srcb.at[j]], rows[b], gsem[b]).wait()

    def _scatter(j, b):
        pltpu.async_copy(rows[b], acc.at[dstb.at[j]], ssem[b], add=True)

    def _scatter_wait(j, b):
        pltpu.make_async_copy(rows[b], acc.at[dstb.at[j]], ssem[b]).wait()

    _gather(0, 0)
    _gather(1, 1)
    plsc.subcore_barrier()

    def _step(i, carry):
        j = i * 5
        for b in range(5):
            _gather_wait(j + b, b)
            _scatter(j + b, b)
            nb = (b + 2) % 5
            if b < 3:
                @pl.when(i > 0)
                def _(b=b, nb=nb):
                    _scatter_wait(j + b - 3, nb)

                _gather(j + b + 2, nb)
            else:
                _scatter_wait(j + b - 3, nb)

                @pl.when(i < NCH // 5 - 1)
                def _(b=b, nb=nb):
                    _gather(j + b + 2, nb)

        return carry

    lax.fori_loop(0, NCH // 5, _step, 0)
    _scatter_wait(NCH - 3, 2)
    _scatter_wait(NCH - 2, 3)
    _scatter_wait(NCH - 1, 4)
    plsc.subcore_barrier()
    pltpu.sync_copy(acc.at[pl.ds(s * RPT, RPT)],
                    acc_hbm.at[c, pl.ds(s * RPT, RPT)])


_message = pl.kernel(
    _msg_body,
    out_type=jax.ShapeDtypeStruct((2, NP, HD), jnp.float32),
    mesh=_mesh,
    scratch_types=[
        pltpu.VMEM((NCH, CH), jnp.int32),
        pltpu.VMEM((NCH, CH), jnp.int32),
        pltpu.VMEM((CH, HD), jnp.float32),
        pltpu.VMEM((CH, HD), jnp.float32),
        pltpu.VMEM((CH, HD), jnp.float32),
        pltpu.VMEM((CH, HD), jnp.float32),
        pltpu.VMEM((CH, HD), jnp.float32),
        pltpu.VMEM((128, HD), jnp.float32),
        pltpu.VMEM_SHARED((NP, HD), jnp.float32),
        pltpu.SemaphoreType.DMA,
        pltpu.SemaphoreType.DMA,
        pltpu.SemaphoreType.DMA,
        pltpu.SemaphoreType.DMA,
        pltpu.SemaphoreType.DMA,
        pltpu.SemaphoreType.DMA,
        pltpu.SemaphoreType.DMA,
        pltpu.SemaphoreType.DMA,
        pltpu.SemaphoreType.DMA,
        pltpu.SemaphoreType.DMA,
    ],
    compiler_params=pltpu.CompilerParams(use_tc_tiling_on_sc=False),
)


def _fin_body(a_ref, g_ref, d0_ref, d1_ref, bt_ref, b_ref, o_ref):
    i = pl.program_id(0)
    dinv = lax.rsqrt(d0_ref[...] + d1_ref[...] + 1.0)
    sfull = jnp.concatenate([a_ref[0] + g_ref[0], a_ref[1] + g_ref[1]],
                            axis=1)
    out = jnp.maximum(dinv * sfull + b_ref[...], 0.0)
    out = jnp.where(bt_ref[...] < G, out, 0.0)
    gids = lax.broadcasted_iota(jnp.int32, (1, G), 1)
    mask = (bt_ref[...] == gids).astype(jnp.float32)
    part = lax.dot_general(mask, out, (((0,), (0,)), ((), ())),
                           preferred_element_type=jnp.float32)

    @pl.when(i == 0)
    def _():
        o_ref[...] = part

    @pl.when(i != 0)
    def _():
        o_ref[...] = o_ref[...] + part


_finalize = pl.pallas_call(
    _fin_body,
    grid=(GRID,),
    in_specs=[
        pl.BlockSpec((2, BLK, HD), lambda i: (0, i, 0)),
        pl.BlockSpec((2, BLK, HD), lambda i: (0, i, 0)),
        pl.BlockSpec((BLK, 1), lambda i: (i, 0)),
        pl.BlockSpec((BLK, 1), lambda i: (i, 0)),
        pl.BlockSpec((BLK, 1), lambda i: (i, 0)),
        pl.BlockSpec((1, D), lambda i: (0, 0)),
    ],
    out_specs=pl.BlockSpec((G, D), lambda i: (0, 0)),
    out_shape=jax.ShapeDtypeStruct((G, D), jnp.float32),
)


def kernel(x, edge_index, batch_indeces, W, b):
    src2 = edge_index[0].astype(jnp.int32).reshape(16, NCH, CH)
    dst2 = edge_index[1].astype(jnp.int32).reshape(16, NCH, CH)
    dst2h = edge_index[1].astype(jnp.int32).reshape(NW_DEG, NCH // 2, CH)
    bt = jnp.pad(batch_indeces.astype(jnp.int32), (0, NP - N),
                 constant_values=G).reshape(NP, 1)

    degp = _degree(dst2h)
    d0 = degp[0, 0].reshape(NP, 1)
    d1 = degp[1, 0].reshape(NP, 1)
    g = _mm_scale(x, W, d0[:N], d1[:N])
    acc = _message(src2, dst2, g)
    pooled = _finalize(acc, g, d0, d1, bt, b.reshape(1, D))
    return pooled

# --- scband reference (transcript-rebuilt; emitter-appended) ---
"""Pipeline reference for scband-gcnencoder-2396591751509 (READ-ONLY COPY).

The authoritative reference and input builder live on the scoring server;
editing this copy changes nothing except your own understanding.
"""

import jax, jax.numpy as jnp
import numpy as np

N_NODES = 10000
N_EDGES = 320000
D_FEAT = 128
D_HID = 128
N_GRAPHS = 64


def setup_inputs(seed: int = 0) -> dict:
    key = jax.random.key(seed)
    k1, k2, k3, k4, k5 = jax.random.split(key, 5)
    x = jax.random.normal(k1, (N_NODES, D_FEAT), dtype=jnp.float32)
    edge_index = jax.random.randint(k2, (2, N_EDGES), 0, N_NODES, dtype=jnp.int64)
    batch_indeces = jnp.sort(jax.random.randint(k3, (N_NODES,), 0, N_GRAPHS, dtype=jnp.int64))
    W = jax.random.normal(k4, (D_FEAT, D_HID), dtype=jnp.float32) * (1.0 / np.sqrt(D_FEAT))
    b = jnp.zeros((D_HID,), dtype=jnp.float32)
    return {"x": x, "edge_index": edge_index, "batch_indeces": batch_indeces, "W": W, "b": b}


def reference(x, edge_index, batch_indeces, W, b):
    N = x.shape[0]
    # GCNConv: add self-loops, symmetric normalization D^-1/2 (A+I) D^-1/2 X W + b
    self_loops = jnp.arange(N, dtype=edge_index.dtype)
    src = jnp.concatenate([edge_index[0], self_loops])
    dst = jnp.concatenate([edge_index[1], self_loops])
    deg = jnp.zeros((N,), dtype=jnp.float32).at[dst].add(1.0)
    dinv = jnp.where(deg > 0, jax.lax.rsqrt(deg), 0.0)
    norm = dinv[src] * dinv[dst]
    h = x @ W
    msg = h[src] * norm[:, None]
    out = jax.ops.segment_sum(msg, dst, num_segments=N) + b
    out = jax.nn.relu(out)
    # global_add_pool over graphs in the batch
    pooled = jax.ops.segment_sum(out, batch_indeces, num_segments=N_GRAPHS)
    return pooled

if __name__ == "__main__":
    import jax
    _d = setup_inputs()
    print(jax.jit(kernel)(*tuple(_d.values())))

</pallas_src>

<mosaic_0001>
#map = affine_map<(d0, d1) -> (0, 0, 0)>
module attributes {stable_mosaic.version = 14 : i64} {
  func.func @_msg_body(%arg0: i32, %arg1: i32, %arg2: memref<16x160x125xi32, #tpu.memory_space<hbm>>, %arg3: memref<16x160x125xi32, #tpu.memory_space<hbm>>, %arg4: memref<2x10240x64xf32, #tpu.memory_space<hbm>>, %arg5: memref<2x10240x64xf32, #tpu.memory_space<hbm>>, %arg6: memref<160x125xi32, #tpu.memory_space<vmem>>, %arg7: memref<160x125xi32, #tpu.memory_space<vmem>>, %arg8: memref<125x64xf32, #tpu.memory_space<vmem>>, %arg9: memref<125x64xf32, #tpu.memory_space<vmem>>, %arg10: memref<125x64xf32, #tpu.memory_space<vmem>>, %arg11: memref<125x64xf32, #tpu.memory_space<vmem>>, %arg12: memref<125x64xf32, #tpu.memory_space<vmem>>, %arg13: memref<128x64xf32, #tpu.memory_space<vmem>>, %arg14: memref<10240x64xf32, #tpu.memory_space<vmem_shared>>, %arg15: memref<!tpu.dma_semaphore, #tpu.memory_space<semaphore_mem>>, %arg16: memref<!tpu.dma_semaphore, #tpu.memory_space<semaphore_mem>>, %arg17: memref<!tpu.dma_semaphore, #tpu.memory_space<semaphore_mem>>, %arg18: memref<!tpu.dma_semaphore, #tpu.memory_space<semaphore_mem>>, %arg19: memref<!tpu.dma_semaphore, #tpu.memory_space<semaphore_mem>>, %arg20: memref<!tpu.dma_semaphore, #tpu.memory_space<semaphore_mem>>, %arg21: memref<!tpu.dma_semaphore, #tpu.memory_space<semaphore_mem>>, %arg22: memref<!tpu.dma_semaphore, #tpu.memory_space<semaphore_mem>>, %arg23: memref<!tpu.dma_semaphore, #tpu.memory_space<semaphore_mem>>, %arg24: memref<!tpu.dma_semaphore, #tpu.memory_space<semaphore_mem>>) attributes {dimension_semantics = [#tpu.dimension_semantics<core_parallel>, #tpu.dimension_semantics<subcore_parallel>], iteration_bounds = array<i64: 2, 16>, scalar_prefetch = 0 : i64, scratch_operands = 19 : i64, tpu.core_type = #tpu.core_type<sc_vector_subcore>, window_params = [{transform_indices = #map}, {transform_indices = #map}, {transform_indices = #map}, {transform_indices = #map}]} {
    %scan3A = arith.constant 0 : i32
    %scan3A_0 = arith.constant 0 : i32
    %scan3A_1 = arith.constant 128 : i32
    %scan3A_2 = arith.addi %scan3A_0, %scan3A_1 : i32
    %scan3A_3 = arith.constant 1 : i32
    scf.for %scan3A_75 = %scan3A_0 to %scan3A_2 step %scan3A_3  : i32 {
      %broadcast_in_dim3A = arith.constant 0.000000e+00 : f32
      %broadcast_in_dim3A_76 = vector.broadcast %broadcast_in_dim3A : f32 to vector<16xf32>
      %swap3A = arith.index_cast %scan3A_75 : i32 to index
      %swap3A_77 = arith.constant 0 : index
      %swap3A_78 = tpu.vector_load %arg13[%swap3A, %swap3A_77] {strides = array<i32>} : memref<128x64xf32, #tpu.memory_space<vmem>>, vector<1x16xf32>,
      %swap3A_79 = vector.shape_cast %swap3A_78 : vector<1x16xf32> to vector<16xf32>
      %swap3A_80 = vector.shape_cast %broadcast_in_dim3A_76 : vector<16xf32> to vector<1x16xf32>
      tpu.vector_store %arg13[%swap3A, %swap3A_77], %swap3A_80 {strides = array<i32>} : memref<128x64xf32, #tpu.memory_space<vmem>>, vector<1x16xf32>,
      %broadcast_in_dim3A_81 = arith.constant 0.000000e+00 : f32
      %broadcast_in_dim3A_82 = vector.broadcast %broadcast_in_dim3A_81 : f32 to vector<16xf32>
      %swap3A_83 = arith.index_cast %scan3A_75 : i32 to index
      %swap3A_84 = arith.constant 16 : index
      %swap3A_85 = tpu.vector_load %arg13[%swap3A_83, %swap3A_84] {strides = array<i32>} : memref<128x64xf32, #tpu.memory_space<vmem>>, vector<1x16xf32>,
      %swap3A_86 = vector.shape_cast %swap3A_85 : vector<1x16xf32> to vector<16xf32>
      %swap3A_87 = vector.shape_cast %broadcast_in_dim3A_82 : vector<16xf32> to vector<1x16xf32>
      tpu.vector_store %arg13[%swap3A_83, %swap3A_84], %swap3A_87 {strides = array<i32>} : memref<128x64xf32, #tpu.memory_space<vmem>>, vector<1x16xf32>,
      %broadcast_in_dim3A_88 = arith.constant 0.000000e+00 : f32
      %broadcast_in_dim3A_89 = vector.broadcast %broadcast_in_dim3A_88 : f32 to vector<16xf32>
      %swap3A_90 = arith.index_cast %scan3A_75 : i32 to index
      %swap3A_91 = arith.constant 32 : index
      %swap3A_92 = tpu.vector_load %arg13[%swap3A_90, %swap3A_91] {strides = array<i32>} : memref<128x64xf32, #tpu.memory_space<vmem>>, vector<1x16xf32>,
      %swap3A_93 = vector.shape_cast %swap3A_92 : vector<1x16xf32> to vector<16xf32>
      %swap3A_94 = vector.shape_cast %broadcast_in_dim3A_89 : vector<16xf32> to vector<1x16xf32>
      tpu.vector_store %arg13[%swap3A_90, %swap3A_91], %swap3A_94 {strides = array<i32>} : memref<128x64xf32, #tpu.memory_space<vmem>>, vector<1x16xf32>,
      %broadcast_in_dim3A_95 = arith.constant 0.000000e+00 : f32
      %broadcast_in_dim3A_96 = vector.broadcast %broadcast_in_dim3A_95 : f32 to vector<16xf32>
      %swap3A_97 = arith.index_cast %scan3A_75 : i32 to index
      %swap3A_98 = arith.constant 48 : index
      %swap3A_99 = tpu.vector_load %arg13[%swap3A_97, %swap3A_98] {strides = array<i32>} : memref<128x64xf32, #tpu.memory_space<vmem>>, vector<1x16xf32>,
      %swap3A_100 = vector.shape_cast %swap3A_99 : vector<1x16xf32> to vector<16xf32>
      %swap3A_101 = vector.shape_cast %broadcast_in_dim3A_96 : vector<16xf32> to vector<1x16xf32>
      tpu.vector_store %arg13[%swap3A_97, %swap3A_98], %swap3A_101 {strides = array<i32>} : memref<128x64xf32, #tpu.memory_space<vmem>>, vector<1x16xf32>,
    }
    %scan3A_4 = arith.constant 128 : i32
    %mul3A = arith.constant 640 : i32
    %mul3A_5 = arith.muli %arg1, %mul3A : i32
    %add3A = arith.constant 0 : i32
    %add3A_6 = arith.addi %mul3A_5, %add3A : i32
    "tpu.region"() ({
      %run_scoped3A = tpu.sem_alloc : memref<!tpu.dma_semaphore, #tpu.memory_space<semaphore_mem>>
      %dma_start3A_75 = arith.constant 0 : i32
      %dma_start3A_76 = tpu.memref_slice %arg14[%add3A_6, %dma_start3A_75] : memref<10240x64xf32, #tpu.memory_space<vmem_shared>> -> memref<128x64xf32, #tpu.memory_space<vmem_shared>>
      %dma_start3A_77 = arith.constant 0 : i32
      %dma_start3A_78 = tpu.memref_slice %arg14[%add3A_6, %dma_start3A_77] : memref<10240x64xf32, #tpu.memory_space<vmem_shared>> -> memref<128x64xf32, #tpu.memory_space<vmem_shared>>
      tpu.enqueue_dma source(%arg13 : memref<128x64xf32, #tpu.memory_space<vmem>>) target(%dma_start3A_78 : memref<128x64xf32, #tpu.memory_space<vmem_shared>>) target_semaphore(%run_scoped3A : memref<!tpu.dma_semaphore, #tpu.memory_space<semaphore_mem>>)
      %dma_wait3A_79 = arith.constant 0 : i32
      %dma_wait3A_80 = tpu.memref_slice %arg14[%add3A_6, %dma_wait3A_79] : memref<10240x64xf32, #tpu.memory_space<vmem_shared>> -> memref<128x64xf32, #tpu.memory_space<vmem_shared>>
      %dma_wait3A_81 = arith.constant 0 : i32
      %dma_wait3A_82 = tpu.memref_slice %arg14[%add3A_6, %dma_wait3A_81] : memref<10240x64xf32, #tpu.memory_space<vmem_shared>> -> memref<128x64xf32, #tpu.memory_space<vmem_shared>>
      tpu.wait_dma2 semaphore(%run_scoped3A : memref<!tpu.dma_semaphore, #tpu.memory_space<semaphore_mem>>) src(%arg13 : memref<128x64xf32, #tpu.memory_space<vmem>>) dst(%dma_wait3A_82 : memref<128x64xf32, #tpu.memory_space<vmem_shared>>)
      tpu.yield
    }) : () -> ()
    %mul3A_7 = arith.constant 640 : i32
    %mul3A_8 = arith.muli %arg1, %mul3A_7 : i32
    %add3A_9 = arith.constant 128 : i32
    %add3A_10 = arith.addi %mul3A_8, %add3A_9 : i32
    "tpu.region"() ({
      %run_scoped3A = tpu.sem_alloc : memref<!tpu.dma_semaphore, #tpu.memory_space<semaphore_mem>>
      %dma_start3A_75 = arith.constant 0 : i32
      %dma_start3A_76 = tpu.memref_slice %arg14[%add3A_10, %dma_start3A_75] : memref<10240x64xf32, #tpu.memory_space<vmem_shared>> -> memref<128x64xf32, #tpu.memory_space<vmem_shared>>
      %dma_start3A_77 = arith.constant 0 : i32
      %dma_start3A_78 = tpu.memref_slice %arg14[%add3A_10, %dma_start3A_77] : memref<10240x64xf32, #tpu.memory_space<vmem_shared>> -> memref<128x64xf32, #tpu.memory_space<vmem_shared>>
      tpu.enqueue_dma source(%arg13 : memref<128x64xf32, #tpu.memory_space<vmem>>) target(%dma_start3A_78 : memref<128x64xf32, #tpu.memory_space<vmem_shared>>) target_semaphore(%run_scoped3A : memref<!tpu.dma_semaphore, #tpu.memory_space<semaphore_mem>>)
      %dma_wait3A_79 = arith.constant 0 : i32
      %dma_wait3A_80 = tpu.memref_slice %arg14[%add3A_10, %dma_wait3A_79] : memref<10240x64xf32, #tpu.memory_space<vmem_shared>> -> memref<128x64xf32, #tpu.memory_space<vmem_shared>>
      %dma_wait3A_81 = arith.constant 0 : i32
      %dma_wait3A_82 = tpu.memref_slice %arg14[%add3A_10, %dma_wait3A_81] : memref<10240x64xf32, #tpu.memory_space<vmem_shared>> -> memref<128x64xf32, #tpu.memory_space<vmem_shared>>
      tpu.wait_dma2 semaphore(%run_scoped3A : memref<!tpu.dma_semaphore, #tpu.memory_space<semaphore_mem>>) src(%arg13 : memref<128x64xf32, #tpu.memory_space<vmem>>) dst(%dma_wait3A_82 : memref<128x64xf32, #tpu.memory_space<vmem_shared>>)
      tpu.yield
    }) : () -> ()
    %mul3A_11 = arith.constant 640 : i32
    %mul3A_12 = arith.muli %arg1, %mul3A_11 : i32
    %add3A_13 = arith.constant 256 : i32
    %add3A_14 = arith.addi %mul3A_12, %add3A_13 : i32
    "tpu.region"() ({
      %run_scoped3A = tpu.sem_alloc : memref<!tpu.dma_semaphore, #tpu.memory_space<semaphore_mem>>
      %dma_start3A_75 = arith.constant 0 : i32
      %dma_start3A_76 = tpu.memref_slice %arg14[%add3A_14, %dma_start3A_75] : memref<10240x64xf32, #tpu.memory_space<vmem_shared>> -> memref<128x64xf32, #tpu.memory_space<vmem_shared>>
      %dma_start3A_77 = arith.constant 0 : i32
      %dma_start3A_78 = tpu.memref_slice %arg14[%add3A_14, %dma_start3A_77] : memref<10240x64xf32, #tpu.memory_space<vmem_shared>> -> memref<128x64xf32, #tpu.memory_space<vmem_shared>>
      tpu.enqueue_dma source(%arg13 : memref<128x64xf32, #tpu.memory_space<vmem>>) target(%dma_start3A_78 : memref<128x64xf32, #tpu.memory_space<vmem_shared>>) target_semaphore(%run_scoped3A : memref<!tpu.dma_semaphore, #tpu.memory_space<semaphore_mem>>)
      %dma_wait3A_79 = arith.constant 0 : i32
      %dma_wait3A_80 = tpu.memref_slice %arg14[%add3A_14, %dma_wait3A_79] : memref<10240x64xf32, #tpu.memory_space<vmem_shared>> -> memref<128x64xf32, #tpu.memory_space<vmem_shared>>
      %dma_wait3A_81 = arith.constant 0 : i32
      %dma_wait3A_82 = tpu.memref_slice %arg14[%add3A_14, %dma_wait3A_81] : memref<10240x64xf32, #tpu.memory_space<vmem_shared>> -> memref<128x64xf32, #tpu.memory_space<vmem_shared>>
      tpu.wait_dma2 semaphore(%run_scoped3A : memref<!tpu.dma_semaphore, #tpu.memory_space<semaphore_mem>>) src(%arg13 : memref<128x64xf32, #tpu.memory_space<vmem>>) dst(%dma_wait3A_82 : memref<128x64xf32, #tpu.memory_space<vmem_shared>>)
      tpu.yield
    }) : () -> ()
    %mul3A_15 = arith.constant 640 : i32
    %mul3A_16 = arith.muli %arg1, %mul3A_15 : i32
    %add3A_17 = arith.constant 384 : i32
    %add3A_18 = arith.addi %mul3A_16, %add3A_17 : i32
    "tpu.region"() ({
      %run_scoped3A = tpu.sem_alloc : memref<!tpu.dma_semaphore, #tpu.memory_space<semaphore_mem>>
      %dma_start3A_75 = arith.constant 0 : i32
      %dma_start3A_76 = tpu.memref_slice %arg14[%add3A_18, %dma_start3A_75] : memref<10240x64xf32, #tpu.memory_space<vmem_shared>> -> memref<128x64xf32, #tpu.memory_space<vmem_shared>>
      %dma_start3A_77 = arith.constant 0 : i32
      %dma_start3A_78 = tpu.memref_slice %arg14[%add3A_18, %dma_start3A_77] : memref<10240x64xf32, #tpu.memory_space<vmem_shared>> -> memref<128x64xf32, #tpu.memory_space<vmem_shared>>
      tpu.enqueue_dma source(%arg13 : memref<128x64xf32, #tpu.memory_space<vmem>>) target(%dma_start3A_78 : memref<128x64xf32, #tpu.memory_space<vmem_shared>>) target_semaphore(%run_scoped3A : memref<!tpu.dma_semaphore, #tpu.memory_space<semaphore_mem>>)
      %dma_wait3A_79 = arith.constant 0 : i32
      %dma_wait3A_80 = tpu.memref_slice %arg14[%add3A_18, %dma_wait3A_79] : memref<10240x64xf32, #tpu.memory_space<vmem_shared>> -> memref<128x64xf32, #tpu.memory_space<vmem_shared>>
      %dma_wait3A_81 = arith.constant 0 : i32
      %dma_wait3A_82 = tpu.memref_slice %arg14[%add3A_18, %dma_wait3A_81] : memref<10240x64xf32, #tpu.memory_space<vmem_shared>> -> memref<128x64xf32, #tpu.memory_space<vmem_shared>>
      tpu.wait_dma2 semaphore(%run_scoped3A : memref<!tpu.dma_semaphore, #tpu.memory_space<semaphore_mem>>) src(%arg13 : memref<128x64xf32, #tpu.memory_space<vmem>>) dst(%dma_wait3A_82 : memref<128x64xf32, #tpu.memory_space<vmem_shared>>)
      tpu.yield
    }) : () -> ()
    %mul3A_19 = arith.constant 640 : i32
    %mul3A_20 = arith.muli %arg1, %mul3A_19 : i32
    %add3A_21 = arith.constant 512 : i32
    %add3A_22 = arith.addi %mul3A_20, %add3A_21 : i32
    "tpu.region"() ({
      %run_scoped3A = tpu.sem_alloc : memref<!tpu.dma_semaphore, #tpu.memory_space<semaphore_mem>>
      %dma_start3A_75 = arith.constant 0 : i32
      %dma_start3A_76 = tpu.memref_slice %arg14[%add3A_22, %dma_start3A_75] : memref<10240x64xf32, #tpu.memory_space<vmem_shared>> -> memref<128x64xf32, #tpu.memory_space<vmem_shared>>
      %dma_start3A_77 = arith.constant 0 : i32
      %dma_start3A_78 = tpu.memref_slice %arg14[%add3A_22, %dma_start3A_77] : memref<10240x64xf32, #tpu.memory_space<vmem_shared>> -> memref<128x64xf32, #tpu.memory_space<vmem_shared>>
      tpu.enqueue_dma source(%arg13 : memref<128x64xf32, #tpu.memory_space<vmem>>) target(%dma_start3A_78 : memref<128x64xf32, #tpu.memory_space<vmem_shared>>) target_semaphore(%run_scoped3A : memref<!tpu.dma_semaphore, #tpu.memory_space<semaphore_mem>>)
      %dma_wait3A_79 = arith.constant 0 : i32
      %dma_wait3A_80 = tpu.memref_slice %arg14[%add3A_22, %dma_wait3A_79] : memref<10240x64xf32, #tpu.memory_space<vmem_shared>> -> memref<128x64xf32, #tpu.memory_space<vmem_shared>>
      %dma_wait3A_81 = arith.constant 0 : i32
      %dma_wait3A_82 = tpu.memref_slice %arg14[%add3A_22, %dma_wait3A_81] : memref<10240x64xf32, #tpu.memory_space<vmem_shared>> -> memref<128x64xf32, #tpu.memory_space<vmem_shared>>
      tpu.wait_dma2 semaphore(%run_scoped3A : memref<!tpu.dma_semaphore, #tpu.memory_space<semaphore_mem>>) src(%arg13 : memref<128x64xf32, #tpu.memory_space<vmem>>) dst(%dma_wait3A_82 : memref<128x64xf32, #tpu.memory_space<vmem_shared>>)
      tpu.yield
    }) : () -> ()
    "tpu.region"() ({
      %run_scoped3A = tpu.sem_alloc : memref<!tpu.dma_semaphore, #tpu.memory_space<semaphore_mem>>
      %dma_start3A_75 = arith.constant 0 : i32
      %dma_start3A_76 = arith.constant 0 : i32
      %dma_start3A_77 = tpu.memref_slice %arg2[%arg1, %dma_start3A_75, %dma_start3A_76] : memref<16x160x125xi32, #tpu.memory_space<hbm>> -> memref<1x160x125xi32, #tpu.memory_space<hbm>>
      %dma_start3A_78 = tpu.memref_squeeze %dma_start3A_77 : memref<1x160x125xi32, #tpu.memory_space<hbm>> -> memref<160x125xi32, #tpu.memory_space<hbm>>
      %dma_start3A_79 = arith.constant 0 : i32
      %dma_start3A_80 = arith.constant 0 : i32
      %dma_start3A_81 = tpu.memref_slice %arg2[%arg1, %dma_start3A_79, %dma_start3A_80] : memref<16x160x125xi32, #tpu.memory_space<hbm>> -> memref<1x160x125xi32, #tpu.memory_space<hbm>>
      %dma_start3A_82 = tpu.memref_squeeze %dma_start3A_81 : memref<1x160x125xi32, #tpu.memory_space<hbm>> -> memref<160x125xi32, #tpu.memory_space<hbm>>
      tpu.enqueue_dma source(%dma_start3A_82 : memref<160x125xi32, #tpu.memory_space<hbm>>) target(%arg6 : memref<160x125xi32, #tpu.memory_space<vmem>>) target_semaphore(%run_scoped3A : memref<!tpu.dma_semaphore, #tpu.memory_space<semaphore_mem>>)
      %dma_wait3A_83 = arith.constant 0 : i32
      %dma_wait3A_84 = arith.constant 0 : i32
      %dma_wait3A_85 = tpu.memref_slice %arg2[%arg1, %dma_wait3A_83, %dma_wait3A_84] : memref<16x160x125xi32, #tpu.memory_space<hbm>> -> memref<1x160x125xi32, #tpu.memory_space<hbm>>
      %dma_wait3A_86 = tpu.memref_squeeze %dma_wait3A_85 : memref<1x160x125xi32, #tpu.memory_space<hbm>> -> memref<160x125xi32, #tpu.memory_space<hbm>>
      %dma_wait3A_87 = arith.constant 0 : i32
      %dma_wait3A_88 = arith.constant 0 : i32
      %dma_wait3A_89 = tpu.memref_slice %arg2[%arg1, %dma_wait3A_87, %dma_wait3A_88] : memref<16x160x125xi32, #tpu.memory_space<hbm>> -> memref<1x160x125xi32, #tpu.memory_space<hbm>>
      %dma_wait3A_90 = tpu.memref_squeeze %dma_wait3A_89 : memref<1x160x125xi32, #tpu.memory_space<hbm>> -> memref<160x125xi32, #tpu.memory_space<hbm>>
      tpu.wait_dma2 semaphore(%run_scoped3A : memref<!tpu.dma_semaphore, #tpu.memory_space<semaphore_mem>>) src(%dma_wait3A_90 : memref<160x125xi32, #tpu.memory_space<hbm>>) dst(%arg6 : memref<160x125xi32, #tpu.memory_space<vmem>>)
      tpu.yield
    }) : () -> ()
    "tpu.region"() ({
      %run_scoped3A = tpu.sem_alloc : memref<!tpu.dma_semaphore, #tpu.memory_space<semaphore_mem>>
      %dma_start3A_75 = arith.constant 0 : i32
      %dma_start3A_76 = arith.constant 0 : i32
      %dma_start3A_77 = tpu.memref_slice %arg3[%arg1, %dma_start3A_75, %dma_start3A_76] : memref<16x160x125xi32, #tpu.memory_space<hbm>> -> memref<1x160x125xi32, #tpu.memory_space<hbm>>
      %dma_start3A_78 = tpu.memref_squeeze %dma_start3A_77 : memref<1x160x125xi32, #tpu.memory_space<hbm>> -> memref<160x125xi32, #tpu.memory_space<hbm>>
      %dma_start3A_79 = arith.constant 0 : i32
      %dma_start3A_80 = arith.constant 0 : i32
      %dma_start3A_81 = tpu.memref_slice %arg3[%arg1, %dma_start3A_79, %dma_start3A_80] : memref<16x160x125xi32, #tpu.memory_space<hbm>> -> memref<1x160x125xi32, #tpu.memory_space<hbm>>
      %dma_start3A_82 = tpu.memref_squeeze %dma_start3A_81 : memref<1x160x125xi32, #tpu.memory_space<hbm>> -> memref<160x125xi32, #tpu.memory_space<hbm>>
      tpu.enqueue_dma source(%dma_start3A_82 : memref<160x125xi32, #tpu.memory_space<hbm>>) target(%arg7 : memref<160x125xi32, #tpu.memory_space<vmem>>) target_semaphore(%run_scoped3A : memref<!tpu.dma_semaphore, #tpu.memory_space<semaphore_mem>>)
      %dma_wait3A_83 = arith.constant 0 : i32
      %dma_wait3A_84 = arith.constant 0 : i32
      %dma_wait3A_85 = tpu.memref_slice %arg3[%arg1, %dma_wait3A_83, %dma_wait3A_84] : memref<16x160x125xi32, #tpu.memory_space<hbm>> -> memref<1x160x125xi32, #tpu.memory_space<hbm>>
      %dma_wait3A_86 = tpu.memref_squeeze %dma_wait3A_85 : memref<1x160x125xi32, #tpu.memory_space<hbm>> -> memref<160x125xi32, #tpu.memory_space<hbm>>
      %dma_wait3A_87 = arith.constant 0 : i32
      %dma_wait3A_88 = arith.constant 0 : i32
      %dma_wait3A_89 = tpu.memref_slice %arg3[%arg1, %dma_wait3A_87, %dma_wait3A_88] : memref<16x160x125xi32, #tpu.memory_space<hbm>> -> memref<1x160x125xi32, #tpu.memory_space<hbm>>
      %dma_wait3A_90 = tpu.memref_squeeze %dma_wait3A_89 : memref<1x160x125xi32, #tpu.memory_space<hbm>> -> memref<160x125xi32, #tpu.memory_space<hbm>>
      tpu.wait_dma2 semaphore(%run_scoped3A : memref<!tpu.dma_semaphore, #tpu.memory_space<semaphore_mem>>) src(%dma_wait3A_90 : memref<160x125xi32, #tpu.memory_space<hbm>>) dst(%arg7 : memref<160x125xi32, #tpu.memory_space<vmem>>)
      tpu.yield
    }) : () -> ()
    %dma_start3A = arith.constant 0 : i32
    %dma_start3A_23 = arith.constant 0 : i32
    %dma_start3A_24 = tpu.memref_slice %arg6[%dma_start3A, %dma_start3A_23] : memref<160x125xi32, #tpu.memory_space<vmem>> -> memref<1x125xi32, #tpu.memory_space<vmem>>
    %dma_start3A_25 = tpu.memref_squeeze %dma_start3A_24 : memref<1x125xi32, #tpu.memory_space<vmem>> -> memref<125xi32, #tpu.memory_space<vmem>>
    %dma_start3A_26 = arith.constant 0 : i32
    %dma_start3A_27 = arith.constant 0 : i32
    %dma_start3A_28 = tpu.memref_slice %arg4[%arg0, %dma_start3A_26, %dma_start3A_27] : memref<2x10240x64xf32, #tpu.memory_space<hbm>> -> memref<1x10240x64xf32, #tpu.memory_space<hbm>>
    %dma_start3A_29 = tpu.memref_squeeze %dma_start3A_28 : memref<1x10240x64xf32, #tpu.memory_space<hbm>> -> memref<10240x64xf32, #tpu.memory_space<hbm>>
    %dma_start3A_30 = arith.constant 0 : i32
    %dma_start3A_31 = arith.constant 0 : i32
    %dma_start3A_32 = tpu.memref_slice %dma_start3A_29[%dma_start3A_30, %dma_start3A_31] : memref<10240x64xf32, #tpu.memory_space<hbm>> -> memref<10240x64xf32, #tpu.memory_space<hbm>>
    tpu.enqueue_indirect_dma source(%dma_start3A_32 : memref<10240x64xf32, #tpu.memory_space<hbm>>) target(%arg8 : memref<125x64xf32, #tpu.memory_space<vmem>>) offsets(%dma_start3A_25 : memref<125xi32, #tpu.memory_space<vmem>>) semaphore(%arg15 : memref<!tpu.dma_semaphore, #tpu.memory_space<semaphore_mem>>)
    %dma_start3A_33 = arith.constant 1 : i32
    %dma_start3A_34 = arith.constant 0 : i32
    %dma_start3A_35 = tpu.memref_slice %arg6[%dma_start3A_33, %dma_start3A_34] : memref<160x125xi32, #tpu.memory_space<vmem>> -> memref<1x125xi32, #tpu.memory_space<vmem>>
    %dma_start3A_36 = tpu.memref_squeeze %dma_start3A_35 : memref<1x125xi32, #tpu.memory_space<vmem>> -> memref<125xi32, #tpu.memory_space<vmem>>
    %dma_start3A_37 = arith.constant 0 : i32
    %dma_start3A_38 = arith.constant 0 : i32
    %dma_start3A_39 = tpu.memref_slice %arg4[%arg0, %dma_start3A_37, %dma_start3A_38] : memref<2x10240x64xf32, #tpu.memory_space<hbm>> -> memref<1x10240x64xf32, #tpu.memory_space<hbm>>
    %dma_start3A_40 = tpu.memref_squeeze %dma_start3A_39 : memref<1x10240x64xf32, #tpu.memory_space<hbm>> -> memref<10240x64xf32, #tpu.memory_space<hbm>>
    %dma_start3A_41 = arith.constant 0 : i32
    %dma_start3A_42 = arith.constant 0 : i32
    %dma_start3A_43 = tpu.memref_slice %dma_start3A_40[%dma_start3A_41, %dma_start3A_42] : memref<10240x64xf32, #tpu.memory_space<hbm>> -> memref<10240x64xf32, #tpu.memory_space<hbm>>
    tpu.enqueue_indirect_dma source(%dma_start3A_43 : memref<10240x64xf32, #tpu.memory_space<hbm>>) target(%arg9 : memref<125x64xf32, #tpu.memory_space<vmem>>) offsets(%dma_start3A_36 : memref<125xi32, #tpu.memory_space<vmem>>) semaphore(%arg16 : memref<!tpu.dma_semaphore, #tpu.memory_space<semaphore_mem>>)
    %barrier3A = arith.constant 0 : index
    tpu.barrier barrier_id(%barrier3A)
    %scan3A_44 = arith.constant 0 : i32
    %scan3A_45 = arith.constant 0 : i32
    %scan3A_46 = arith.constant 32 : i32
    %scan3A_47 = arith.addi %scan3A_45, %scan3A_46 : i32
    %scan3A_48 = arith.constant 1 : i32
    scf.for %scan3A_75 = %scan3A_45 to %scan3A_47 step %scan3A_48  : i32 {
      %mul3A_76 = arith.constant 5 : i32
      %mul3A_77 = arith.muli %scan3A_75, %mul3A_76 : i32
      %add3A_78 = arith.constant 0 : i32
      %add3A_79 = arith.addi %mul3A_77, %add3A_78 : i32
      %dma_wait3A_80 = arith.constant 0 : i32
      %dma_wait3A_81 = tpu.memref_slice %arg6[%add3A_79, %dma_wait3A_80] : memref<160x125xi32, #tpu.memory_space<vmem>> -> memref<1x125xi32, #tpu.memory_space<vmem>>
      %dma_wait3A_82 = tpu.memref_squeeze %dma_wait3A_81 : memref<1x125xi32, #tpu.memory_space<vmem>> -> memref<125xi32, #tpu.memory_space<vmem>>
      %dma_wait3A_83 = arith.constant 0 : i32
      %dma_wait3A_84 = arith.constant 0 : i32
      %dma_wait3A_85 = tpu.memref_slice %arg4[%arg0, %dma_wait3A_83, %dma_wait3A_84] : memref<2x10240x64xf32, #tpu.memory_space<hbm>> -> memref<1x10240x64xf32, #tpu.memory_space<hbm>>
      %dma_wait3A_86 = tpu.memref_squeeze %dma_wait3A_85 : memref<1x10240x64xf32, #tpu.memory_space<hbm>> -> memref<10240x64xf32, #tpu.memory_space<hbm>>
      %dma_wait3A_87 = arith.constant 0 : i32
      %dma_wait3A_88 = arith.constant 0 : i32
      %dma_wait3A_89 = tpu.memref_slice %dma_wait3A_86[%dma_wait3A_87, %dma_wait3A_88] : memref<10240x64xf32, #tpu.memory_space<hbm>> -> memref<10240x64xf32, #tpu.memory_space<hbm>>
      tpu.wait_indirect_dma semaphore(%arg15 : memref<!tpu.dma_semaphore, #tpu.memory_space<semaphore_mem>>) src(%dma_wait3A_89 : memref<10240x64xf32, #tpu.memory_space<hbm>>) dst(%arg8 : memref<125x64xf32, #tpu.memory_space<vmem>>)
      %add3A_90 = arith.constant 0 : i32
      %add3A_91 = arith.addi %mul3A_77, %add3A_90 : i32
      %dma_start3A_92 = arith.constant 0 : i32
      %dma_start3A_93 = tpu.memref_slice %arg7[%add3A_91, %dma_start3A_92] : memref<160x125xi32, #tpu.memory_space<vmem>> -> memref<1x125xi32, #tpu.memory_space<vmem>>
      %dma_start3A_94 = tpu.memref_squeeze %dma_start3A_93 : memref<1x125xi32, #tpu.memory_space<vmem>> -> memref<125xi32, #tpu.memory_space<vmem>>
      %dma_start3A_95 = arith.constant 0 : i32
      %dma_start3A_96 = arith.constant 0 : i32
      %dma_start3A_97 = tpu.memref_slice %arg14[%dma_start3A_95, %dma_start3A_96] : memref<10240x64xf32, #tpu.memory_space<vmem_shared>> -> memref<10240x64xf32, #tpu.memory_space<vmem_shared>>
      tpu.enqueue_indirect_dma source(%arg8 : memref<125x64xf32, #tpu.memory_space<vmem>>) target(%dma_start3A_97 : memref<10240x64xf32, #tpu.memory_space<vmem_shared>>) offsets(%dma_start3A_94 : memref<125xi32, #tpu.memory_space<vmem>>) semaphore(%arg20 : memref<!tpu.dma_semaphore, #tpu.memory_space<semaphore_mem>>) {add = true}
      %gt3A = arith.constant 0 : i32
      %gt3A_98 = arith.cmpi sgt, %scan3A_75, %gt3A : i32
      %convert_element_type3A = arith.extui %gt3A_98 : i1 to i32
      %cond3A = arith.constant 0 : i32
      %cond3A_99 = arith.cmpi ne, %convert_element_type3A, %cond3A : i32
      scf.if %cond3A_99 {
        %add3A_260 = arith.constant 0 : i32
        %add3A_261 = arith.addi %mul3A_77, %add3A_260 : i32
        %sub3A_262 = arith.constant 3 : i32
        %sub3A_263 = arith.subi %add3A_261, %sub3A_262 : i32
        %dma_wait3A_264 = arith.constant 0 : i32
        %dma_wait3A_265 = tpu.memref_slice %arg7[%sub3A_263, %dma_wait3A_264] : memref<160x125xi32, #tpu.memory_space<vmem>> -> memref<1x125xi32, #tpu.memory_space<vmem>>
        %dma_wait3A_266 = tpu.memref_squeeze %dma_wait3A_265 : memref<1x125xi32, #tpu.memory_space<vmem>> -> memref<125xi32, #tpu.memory_space<vmem>>
        %dma_wait3A_267 = arith.constant 0 : i32
        %dma_wait3A_268 = arith.constant 0 : i32
        %dma_wait3A_269 = tpu.memref_slice %arg14[%dma_wait3A_267, %dma_wait3A_268] : memref<10240x64xf32, #tpu.memory_space<vmem_shared>> -> memref<10240x64xf32, #tpu.memory_space<vmem_shared>>
        tpu.wait_indirect_dma semaphore(%arg22 : memref<!tpu.dma_semaphore, #tpu.memory_space<semaphore_mem>>) src(%arg10 : memref<125x64xf32, #tpu.memory_space<vmem>>) dst(%dma_wait3A_269 : memref<10240x64xf32, #tpu.memory_space<vmem_shared>>)
      } else {
      }
      %add3A_100 = arith.constant 0 : i32
      %add3A_101 = arith.addi %mul3A_77, %add3A_100 : i32
      %add3A_102 = arith.constant 2 : i32
      %add3A_103 = arith.addi %add3A_101, %add3A_102 : i32
      %dma_start3A_104 = arith.constant 0 : i32
      %dma_start3A_105 = tpu.memref_slice %arg6[%add3A_103, %dma_start3A_104] : memref<160x125xi32, #tpu.memory_space<vmem>> -> memref<1x125xi32, #tpu.memory_space<vmem>>
      %dma_start3A_106 = tpu.memref_squeeze %dma_start3A_105 : memref<1x125xi32, #tpu.memory_space<vmem>> -> memref<125xi32, #tpu.memory_space<vmem>>
      %dma_start3A_107 = arith.constant 0 : i32
      %dma_start3A_108 = arith.constant 0 : i32
      %dma_start3A_109 = tpu.memref_slice %arg4[%arg0, %dma_start3A_107, %dma_start3A_108] : memref<2x10240x64xf32, #tpu.memory_space<hbm>> -> memref<1x10240x64xf32, #tpu.memory_space<hbm>>
      %dma_start3A_110 = tpu.memref_squeeze %dma_start3A_109 : memref<1x10240x64xf32, #tpu.memory_space<hbm>> -> memref<10240x64xf32, #tpu.memory_space<hbm>>
      %dma_start3A_111 = arith.constant 0 : i32
      %dma_start3A_112 = arith.constant 0 : i32
      %dma_start3A_113 = tpu.memref_slice %dma_start3A_110[%dma_start3A_111, %dma_start3A_112] : memref<10240x64xf32, #tpu.memory_space<hbm>> -> memref<10240x64xf32, #tpu.memory_space<hbm>>
      tpu.enqueue_indirect_dma source(%dma_start3A_113 : memref<10240x64xf32, #tpu.memory_space<hbm>>) target(%arg10 : memref<125x64xf32, #tpu.memory_space<vmem>>) offsets(%dma_start3A_106 : memref<125xi32, #tpu.memory_space<vmem>>) semaphore(%arg17 : memref<!tpu.dma_semaphore, #tpu.memory_space<semaphore_mem>>)
      %add3A_114 = arith.constant 1 : i32
      %add3A_115 = arith.addi %mul3A_77, %add3A_114 : i32
      %dma_wait3A_116 = arith.constant 0 : i32
      %dma_wait3A_117 = tpu.memref_slice %arg6[%add3A_115, %dma_wait3A_116] : memref<160x125xi32, #tpu.memory_space<vmem>> -> memref<1x125xi32, #tpu.memory_space<vmem>>
      %dma_wait3A_118 = tpu.memref_squeeze %dma_wait3A_117 : memref<1x125xi32, #tpu.memory_space<vmem>> -> memref<125xi32, #tpu.memory_space<vmem>>
      %dma_wait3A_119 = arith.constant 0 : i32
      %dma_wait3A_120 = arith.constant 0 : i32
      %dma_wait3A_121 = tpu.memref_slice %arg4[%arg0, %dma_wait3A_119, %dma_wait3A_120] : memref<2x10240x64xf32, #tpu.memory_space<hbm>> -> memref<1x10240x64xf32, #tpu.memory_space<hbm>>
      %dma_wait3A_122 = tpu.memref_squeeze %dma_wait3A_121 : memref<1x10240x64xf32, #tpu.memory_space<hbm>> -> memref<10240x64xf32, #tpu.memory_space<hbm>>
      %dma_wait3A_123 = arith.constant 0 : i32
      %dma_wait3A_124 = arith.constant 0 : i32
      %dma_wait3A_125 = tpu.memref_slice %dma_wait3A_122[%dma_wait3A_123, %dma_wait3A_124] : memref<10240x64xf32, #tpu.memory_space<hbm>> -> memref<10240x64xf32, #tpu.memory_space<hbm>>
      tpu.wait_indirect_dma semaphore(%arg16 : memref<!tpu.dma_semaphore, #tpu.memory_space<semaphore_mem>>) src(%dma_wait3A_125 : memref<10240x64xf32, #tpu.memory_space<hbm>>) dst(%arg9 : memref<125x64xf32, #tpu.memory_space<vmem>>)
      %add3A_126 = arith.constant 1 : i32
      %add3A_127 = arith.addi %mul3A_77, %add3A_126 : i32
      %dma_start3A_128 = arith.constant 0 : i32
      %dma_start3A_129 = tpu.memref_slice %arg7[%add3A_127, %dma_start3A_128] : memref<160x125xi32, #tpu.memory_space<vmem>> -> memref<1x125xi32, #tpu.memory_space<vmem>>
      %dma_start3A_130 = tpu.memref_squeeze %dma_start3A_129 : memref<1x125xi32, #tpu.memory_space<vmem>> -> memref<125xi32, #tpu.memory_space<vmem>>
      %dma_start3A_131 = arith.constant 0 : i32
      %dma_start3A_132 = arith.constant 0 : i32
      %dma_start3A_133 = tpu.memref_slice %arg14[%dma_start3A_131, %dma_start3A_132] : memref<10240x64xf32, #tpu.memory_space<vmem_shared>> -> memref<10240x64xf32, #tpu.memory_space<vmem_shared>>
      tpu.enqueue_indirect_dma source(%arg9 : memref<125x64xf32, #tpu.memory_space<vmem>>) target(%dma_start3A_133 : memref<10240x64xf32, #tpu.memory_space<vmem_shared>>) offsets(%dma_start3A_130 : memref<125xi32, #tpu.memory_space<vmem>>) semaphore(%arg21 : memref<!tpu.dma_semaphore, #tpu.memory_space<semaphore_mem>>) {add = true}
      %gt3A_134 = arith.constant 0 : i32
      %gt3A_135 = arith.cmpi sgt, %scan3A_75, %gt3A_134 : i32
      %convert_element_type3A_136 = arith.extui %gt3A_135 : i1 to i32
      %cond3A_137 = arith.constant 0 : i32
      %cond3A_138 = arith.cmpi ne, %convert_element_type3A_136, %cond3A_137 : i32
      scf.if %cond3A_138 {
        %add3A_260 = arith.constant 1 : i32
        %add3A_261 = arith.addi %mul3A_77, %add3A_260 : i32
        %sub3A_262 = arith.constant 3 : i32
        %sub3A_263 = arith.subi %add3A_261, %sub3A_262 : i32
        %dma_wait3A_264 = arith.constant 0 : i32
        %dma_wait3A_265 = tpu.memref_slice %arg7[%sub3A_263, %dma_wait3A_264] : memref<160x125xi32, #tpu.memory_space<vmem>> -> memref<1x125xi32, #tpu.memory_space<vmem>>
        %dma_wait3A_266 = tpu.memref_squeeze %dma_wait3A_265 : memref<1x125xi32, #tpu.memory_space<vmem>> -> memref<125xi32, #tpu.memory_space<vmem>>
        %dma_wait3A_267 = arith.constant 0 : i32
        %dma_wait3A_268 = arith.constant 0 : i32
        %dma_wait3A_269 = tpu.memref_slice %arg14[%dma_wait3A_267, %dma_wait3A_268] : memref<10240x64xf32, #tpu.memory_space<vmem_shared>> -> memref<10240x64xf32, #tpu.memory_space<vmem_shared>>
        tpu.wait_indirect_dma semaphore(%arg23 : memref<!tpu.dma_semaphore, #tpu.memory_space<semaphore_mem>>) src(%arg11 : memref<125x64xf32, #tpu.memory_space<vmem>>) dst(%dma_wait3A_269 : memref<10240x64xf32, #tpu.memory_space<vmem_shared>>)
      } else {
      }
      %add3A_139 = arith.constant 1 : i32
      %add3A_140 = arith.addi %mul3A_77, %add3A_139 : i32
      %add3A_141 = arith.constant 2 : i32
      %add3A_142 = arith.addi %add3A_140, %add3A_141 : i32
      %dma_start3A_143 = arith.constant 0 : i32
      %dma_start3A_144 = tpu.memref_slice %arg6[%add3A_142, %dma_start3A_143] : memref<160x125xi32, #tpu.memory_space<vmem>> -> memref<1x125xi32, #tpu.memory_space<vmem>>
      %dma_start3A_145 = tpu.memref_squeeze %dma_start3A_144 : memref<1x125xi32, #tpu.memory_space<vmem>> -> memref<125xi32, #tpu.memory_space<vmem>>
      %dma_start3A_146 = arith.constant 0 : i32
      %dma_start3A_147 = arith.constant 0 : i32
      %dma_start3A_148 = tpu.memref_slice %arg4[%arg0, %dma_start3A_146, %dma_start3A_147] : memref<2x10240x64xf32, #tpu.memory_space<hbm>> -> memref<1x10240x64xf32, #tpu.memory_space<hbm>>
      %dma_start3A_149 = tpu.memref_squeeze %dma_start3A_148 : memref<1x10240x64xf32, #tpu.memory_space<hbm>> -> memref<10240x64xf32, #tpu.memory_space<hbm>>
      %dma_start3A_150 = arith.constant 0 : i32
      %dma_start3A_151 = arith.constant 0 : i32
      %dma_start3A_152 = tpu.memref_slice %dma_start3A_149[%dma_start3A_150, %dma_start3A_151] : memref<10240x64xf32, #tpu.memory_space<hbm>> -> memref<10240x64xf32, #tpu.memory_space<hbm>>
      tpu.enqueue_indirect_dma source(%dma_start3A_152 : memref<10240x64xf32, #tpu.memory_space<hbm>>) target(%arg11 : memref<125x64xf32, #tpu.memory_space<vmem>>) offsets(%dma_start3A_145 : memref<125xi32, #tpu.memory_space<vmem>>) semaphore(%arg18 : memref<!tpu.dma_semaphore, #tpu.memory_space<semaphore_mem>>)
      %add3A_153 = arith.constant 2 : i32
      %add3A_154 = arith.addi %mul3A_77, %add3A_153 : i32
      %dma_wait3A_155 = arith.constant 0 : i32
      %dma_wait3A_156 = tpu.memref_slice %arg6[%add3A_154, %dma_wait3A_155] : memref<160x125xi32, #tpu.memory_space<vmem>> -> memref<1x125xi32, #tpu.memory_space<vmem>>
      %dma_wait3A_157 = tpu.memref_squeeze %dma_wait3A_156 : memref<1x125xi32, #tpu.memory_space<vmem>> -> memref<125xi32, #tpu.memory_space<vmem>>
      %dma_wait3A_158 = arith.constant 0 : i32
      %dma_wait3A_159 = arith.constant 0 : i32
      %dma_wait3A_160 = tpu.memref_slice %arg4[%arg0, %dma_wait3A_158, %dma_wait3A_159] : memref<2x10240x64xf32, #tpu.memory_space<hbm>> -> memref<1x10240x64xf32, #tpu.memory_space<hbm>>
      %dma_wait3A_161 = tpu.memref_squeeze %dma_wait3A_160 : memref<1x10240x64xf32, #tpu.memory_space<hbm>> -> memref<10240x64xf32, #tpu.memory_space<hbm>>
      %dma_wait3A_162 = arith.constant 0 : i32
      %dma_wait3A_163 = arith.constant 0 : i32
      %dma_wait3A_164 = tpu.memref_slice %dma_wait3A_161[%dma_wait3A_162, %dma_wait3A_163] : memref<10240x64xf32, #tpu.memory_space<hbm>> -> memref<10240x64xf32, #tpu.memory_space<hbm>>
      tpu.wait_indirect_dma semaphore(%arg17 : memref<!tpu.dma_semaphore, #tpu.memory_space<semaphore_mem>>) src(%dma_wait3A_164 : memref<10240x64xf32, #tpu.memory_space<hbm>>) dst(%arg10 : memref<125x64xf32, #tpu.memory_space<vmem>>)
      %add3A_165 = arith.constant 2 : i32
      %add3A_166 = arith.addi %mul3A_77, %add3A_165 : i32
      %dma_start3A_167 = arith.constant 0 : i32
      %dma_start3A_168 = tpu.memref_slice %arg7[%add3A_166, %dma_start3A_167] : memref<160x125xi32, #tpu.memory_space<vmem>> -> memref<1x125xi32, #tpu.memory_space<vmem>>
      %dma_start3A_169 = tpu.memref_squeeze %dma_start3A_168 : memref<1x125xi32, #tpu.memory_space<vmem>> -> memref<125xi32, #tpu.memory_space<vmem>>
      %dma_start3A_170 = arith.constant 0 : i32
      %dma_start3A_171 = arith.constant 0 : i32
      %dma_start3A_172 = tpu.memref_slice %arg14[%dma_start3A_170, %dma_start3A_171] : memref<10240x64xf32, #tpu.memory_space<vmem_shared>> -> memref<10240x64xf32, #tpu.memory_space<vmem_shared>>
      tpu.enqueue_indirect_dma source(%arg10 : memref<125x64xf32, #tpu.memory_space<vmem>>) target(%dma_start3A_172 : memref<10240x64xf32, #tpu.memory_space<vmem_shared>>) offsets(%dma_start3A_169 : memref<125xi32, #tpu.memory_space<vmem>>) semaphore(%arg22 : memref<!tpu.dma_semaphore, #tpu.memory_space<semaphore_mem>>) {add = true}
      %gt3A_173 = arith.constant 0 : i32
      %gt3A_174 = arith.cmpi sgt, %scan3A_75, %gt3A_173 : i32
      %convert_element_type3A_175 = arith.extui %gt3A_174 : i1 to i32
      %cond3A_176 = arith.constant 0 : i32
      %cond3A_177 = arith.cmpi ne, %convert_element_type3A_175, %cond3A_176 : i32
      scf.if %cond3A_177 {
        %add3A_260 = arith.constant 2 : i32
        %add3A_261 = arith.addi %mul3A_77, %add3A_260 : i32
        %sub3A_262 = arith.constant 3 : i32
        %sub3A_263 = arith.subi %add3A_261, %sub3A_262 : i32
        %dma_wait3A_264 = arith.constant 0 : i32
        %dma_wait3A_265 = tpu.memref_slice %arg7[%sub3A_263, %dma_wait3A_264] : memref<160x125xi32, #tpu.memory_space<vmem>> -> memref<1x125xi32, #tpu.memory_space<vmem>>
        %dma_wait3A_266 = tpu.memref_squeeze %dma_wait3A_265 : memref<1x125xi32, #tpu.memory_space<vmem>> -> memref<125xi32, #tpu.memory_space<vmem>>
        %dma_wait3A_267 = arith.constant 0 : i32
        %dma_wait3A_268 = arith.constant 0 : i32
        %dma_wait3A_269 = tpu.memref_slice %arg14[%dma_wait3A_267, %dma_wait3A_268] : memref<10240x64xf32, #tpu.memory_space<vmem_shared>> -> memref<10240x64xf32, #tpu.memory_space<vmem_shared>>
        tpu.wait_indirect_dma semaphore(%arg24 : memref<!tpu.dma_semaphore, #tpu.memory_space<semaphore_mem>>) src(%arg12 : memref<125x64xf32, #tpu.memory_space<vmem>>) dst(%dma_wait3A_269 : memref<10240x64xf32, #tpu.memory_space<vmem_shared>>)
      } else {
      }
      %add3A_178 = arith.constant 2 : i32
      %add3A_179 = arith.addi %mul3A_77, %add3A_178 : i32
      %add3A_180 = arith.constant 2 : i32
      %add3A_181 = arith.addi %add3A_179, %add3A_180 : i32
      %dma_start3A_182 = arith.constant 0 : i32
      %dma_start3A_183 = tpu.memref_slice %arg6[%add3A_181, %dma_start3A_182] : memref<160x125xi32, #tpu.memory_space<vmem>> -> memref<1x125xi32, #tpu.memory_space<vmem>>
      %dma_start3A_184 = tpu.memref_squeeze %dma_start3A_183 : memref<1x125xi32, #tpu.memory_space<vmem>> -> memref<125xi32, #tpu.memory_space<vmem>>
      %dma_start3A_185 = arith.constant 0 : i32
      %dma_start3A_186 = arith.constant 0 : i32
      %dma_start3A_187 = tpu.memref_slice %arg4[%arg0, %dma_start3A_185, %dma_start3A_186] : memref<2x10240x64xf32, #tpu.memory_space<hbm>> -> memref<1x10240x64xf32, #tpu.memory_space<hbm>>
      %dma_start3A_188 = tpu.memref_squeeze %dma_start3A_187 : memref<1x10240x64xf32, #tpu.memory_space<hbm>> -> memref<10240x64xf32, #tpu.memory_space<hbm>>
      %dma_start3A_189 = arith.constant 0 : i32
      %dma_start3A_190 = arith.constant 0 : i32
      %dma_start3A_191 = tpu.memref_slice %dma_start3A_188[%dma_start3A_189, %dma_start3A_190] : memref<10240x64xf32, #tpu.memory_space<hbm>> -> memref<10240x64xf32, #tpu.memory_space<hbm>>
      tpu.enqueue_indirect_dma source(%dma_start3A_191 : memref<10240x64xf32, #tpu.memory_space<hbm>>) target(%arg12 : memref<125x64xf32, #tpu.memory_space<vmem>>) offsets(%dma_start3A_184 : memref<125xi32, #tpu.memory_space<vmem>>) semaphore(%arg19 : memref<!tpu.dma_semaphore, #tpu.memory_space<semaphore_mem>>)
      %add3A_192 = arith.constant 3 : i32
      %add3A_193 = arith.addi %mul3A_77, %add3A_192 : i32
      %dma_wait3A_194 = arith.constant 0 : i32
      %dma_wait3A_195 = tpu.memref_slice %arg6[%add3A_193, %dma_wait3A_194] : memref<160x125xi32, #tpu.memory_space<vmem>> -> memref<1x125xi32, #tpu.memory_space<vmem>>
      %dma_wait3A_196 = tpu.memref_squeeze %dma_wait3A_195 : memref<1x125xi32, #tpu.memory_space<vmem>> -> memref<125xi32, #tpu.memory_space<vmem>>
      %dma_wait3A_197 = arith.constant 0 : i32
      %dma_wait3A_198 = arith.constant 0 : i32
      %dma_wait3A_199 = tpu.memref_slice %arg4[%arg0, %dma_wait3A_197, %dma_wait3A_198] : memref<2x10240x64xf32, #tpu.memory_space<hbm>> -> memref<1x10240x64xf32, #tpu.memory_space<hbm>>
      %dma_wait3A_200 = tpu.memref_squeeze %dma_wait3A_199 : memref<1x10240x64xf32, #tpu.memory_space<hbm>> -> memref<10240x64xf32, #tpu.memory_space<hbm>>
      %dma_wait3A_201 = arith.constant 0 : i32
      %dma_wait3A_202 = arith.constant 0 : i32
      %dma_wait3A_203 = tpu.memref_slice %dma_wait3A_200[%dma_wait3A_201, %dma_wait3A_202] : memref<10240x64xf32, #tpu.memory_space<hbm>> -> memref<10240x64xf32, #tpu.memory_space<hbm>>
      tpu.wait_indirect_dma semaphore(%arg18 : memref<!tpu.dma_semaphore, #tpu.memory_space<semaphore_mem>>) src(%dma_wait3A_203 : memref<10240x64xf32, #tpu.memory_space<hbm>>) dst(%arg11 : memref<125x64xf32, #tpu.memory_space<vmem>>)
      %add3A_204 = arith.constant 3 : i32
      %add3A_205 = arith.addi %mul3A_77, %add3A_204 : i32
      %dma_start3A_206 = arith.constant 0 : i32
      %dma_start3A_207 = tpu.memref_slice %arg7[%add3A_205, %dma_start3A_206] : memref<160x125xi32, #tpu.memory_space<vmem>> -> memref<1x125xi32, #tpu.memory_space<vmem>>
      %dma_start3A_208 = tpu.memref_squeeze %dma_start3A_207 : memref<1x125xi32, #tpu.memory_space<vmem>> -> memref<125xi32, #tpu.memory_space<vmem>>
      %dma_start3A_209 = arith.constant 0 : i32
      %dma_start3A_210 = arith.constant 0 : i32
      %dma_start3A_211 = tpu.memref_slice %arg14[%dma_start3A_209, %dma_start3A_210] : memref<10240x64xf32, #tpu.memory_space<vmem_shared>> -> memref<10240x64xf32, #tpu.memory_space<vmem_shared>>
      tpu.enqueue_indirect_dma source(%arg11 : memref<125x64xf32, #tpu.memory_space<vmem>>) target(%dma_start3A_211 : memref<10240x64xf32, #tpu.memory_space<vmem_shared>>) offsets(%dma_start3A_208 : memref<125xi32, #tpu.memory_space<vmem>>) semaphore(%arg23 : memref<!tpu.dma_semaphore, #tpu.memory_space<semaphore_mem>>) {add = true}
      %add3A_212 = arith.constant 3 : i32
      %add3A_213 = arith.addi %mul3A_77, %add3A_212 : i32
      %sub3A = arith.constant 3 : i32
      %sub3A_214 = arith.subi %add3A_213, %sub3A : i32
      %dma_wait3A_215 = arith.constant 0 : i32
      %dma_wait3A_216 = tpu.memref_slice %arg7[%sub3A_214, %dma_wait3A_215] : memref<160x125xi32, #tpu.memory_space<vmem>> -> memref<1x125xi32, #tpu.memory_space<vmem>>
      %dma_wait3A_217 = tpu.memref_squeeze %dma_wait3A_216 : memref<1x125xi32, #tpu.memory_space<vmem>> -> memref<125xi32, #tpu.memory_space<vmem>>
      %dma_wait3A_218 = arith.constant 0 : i32
      %dma_wait3A_219 = arith.constant 0 : i32
      %dma_wait3A_220 = tpu.memref_slice %arg14[%dma_wait3A_218, %dma_wait3A_219] : memref<10240x64xf32, #tpu.memory_space<vmem_shared>> -> memref<10240x64xf32, #tpu.memory_space<vmem_shared>>
      tpu.wait_indirect_dma semaphore(%arg20 : memref<!tpu.dma_semaphore, #tpu.memory_space<semaphore_mem>>) src(%arg8 : memref<125x64xf32, #tpu.memory_space<vmem>>) dst(%dma_wait3A_220 : memref<10240x64xf32, #tpu.memory_space<vmem_shared>>)
      %lt3A = arith.constant 31 : i32
      %lt3A_221 = arith.cmpi slt, %scan3A_75, %lt3A : i32
      %convert_element_type3A_222 = arith.extui %lt3A_221 : i1 to i32
      %cond3A_223 = arith.constant 0 : i32
      %cond3A_224 = arith.cmpi ne, %convert_element_type3A_222, %cond3A_223 : i32
      scf.if %cond3A_224 {
        %add3A_260 = arith.constant 3 : i32
        %add3A_261 = arith.addi %mul3A_77, %add3A_260 : i32
        %add3A_262 = arith.constant 2 : i32
        %add3A_263 = arith.addi %add3A_261, %add3A_262 : i32
        %dma_start3A_264 = arith.constant 0 : i32
        %dma_start3A_265 = tpu.memref_slice %arg6[%add3A_263, %dma_start3A_264] : memref<160x125xi32, #tpu.memory_space<vmem>> -> memref<1x125xi32, #tpu.memory_space<vmem>>
        %dma_start3A_266 = tpu.memref_squeeze %dma_start3A_265 : memref<1x125xi32, #tpu.memory_space<vmem>> -> memref<125xi32, #tpu.memory_space<vmem>>
        %dma_start3A_267 = arith.constant 0 : i32
        %dma_start3A_268 = arith.constant 0 : i32
        %dma_start3A_269 = tpu.memref_slice %arg4[%arg0, %dma_start3A_267, %dma_start3A_268] : memref<2x10240x64xf32, #tpu.memory_space<hbm>> -> memref<1x10240x64xf32, #tpu.memory_space<hbm>>
        %dma_start3A_270 = tpu.memref_squeeze %dma_start3A_269 : memref<1x10240x64xf32, #tpu.memory_space<hbm>> -> memref<10240x64xf32, #tpu.memory_space<hbm>>
        %dma_start3A_271 = arith.constant 0 : i32
        %dma_start3A_272 = arith.constant 0 : i32
        %dma_start3A_273 = tpu.memref_slice %dma_start3A_270[%dma_start3A_271, %dma_start3A_272] : memref<10240x64xf32, #tpu.memory_space<hbm>> -> memref<10240x64xf32, #tpu.memory_space<hbm>>
        tpu.enqueue_indirect_dma source(%dma_start3A_273 : memref<10240x64xf32, #tpu.memory_space<hbm>>) target(%arg8 : memref<125x64xf32, #tpu.memory_space<vmem>>) offsets(%dma_start3A_266 : memref<125xi32, #tpu.memory_space<vmem>>) semaphore(%arg15 : memref<!tpu.dma_semaphore, #tpu.memory_space<semaphore_mem>>)
      } else {
      }
      %add3A_225 = arith.constant 4 : i32
      %add3A_226 = arith.addi %mul3A_77, %add3A_225 : i32
      %dma_wait3A_227 = arith.constant 0 : i32
      %dma_wait3A_228 = tpu.memref_slice %arg6[%add3A_226, %dma_wait3A_227] : memref<160x125xi32, #tpu.memory_space<vmem>> -> memref<1x125xi32, #tpu.memory_space<vmem>>
      %dma_wait3A_229 = tpu.memref_squeeze %dma_wait3A_228 : memref<1x125xi32, #tpu.memory_space<vmem>> -> memref<125xi32, #tpu.memory_space<vmem>>
      %dma_wait3A_230 = arith.constant 0 : i32
      %dma_wait3A_231 = arith.constant 0 : i32
      %dma_wait3A_232 = tpu.memref_slice %arg4[%arg0, %dma_wait3A_230, %dma_wait3A_231] : memref<2x10240x64xf32, #tpu.memory_space<hbm>> -> memref<1x10240x64xf32, #tpu.memory_space<hbm>>
      %dma_wait3A_233 = tpu.memref_squeeze %dma_wait3A_232 : memref<1x10240x64xf32, #tpu.memory_space<hbm>> -> memref<10240x64xf32, #tpu.memory_space<hbm>>
      %dma_wait3A_234 = arith.constant 0 : i32
      %dma_wait3A_235 = arith.constant 0 : i32
      %dma_wait3A_236 = tpu.memref_slice %dma_wait3A_233[%dma_wait3A_234, %dma_wait3A_235] : memref<10240x64xf32, #tpu.memory_space<hbm>> -> memref<10240x64xf32, #tpu.memory_space<hbm>>
      tpu.wait_indirect_dma semaphore(%arg19 : memref<!tpu.dma_semaphore, #tpu.memory_space<semaphore_mem>>) src(%dma_wait3A_236 : memref<10240x64xf32, #tpu.memory_space<hbm>>) dst(%arg12 : memref<125x64xf32, #tpu.memory_space<vmem>>)
      %add3A_237 = arith.constant 4 : i32
      %add3A_238 = arith.addi %mul3A_77, %add3A_237 : i32
      %dma_start3A_239 = arith.constant 0 : i32
      %dma_start3A_240 = tpu.memref_slice %arg7[%add3A_238, %dma_start3A_239] : memref<160x125xi32, #tpu.memory_space<vmem>> -> memref<1x125xi32, #tpu.memory_space<vmem>>
      %dma_start3A_241 = tpu.memref_squeeze %dma_start3A_240 : memref<1x125xi32, #tpu.memory_space<vmem>> -> memref<125xi32, #tpu.memory_space<vmem>>
      %dma_start3A_242 = arith.constant 0 : i32
      %dma_start3A_243 = arith.constant 0 : i32
      %dma_start3A_244 = tpu.memref_slice %arg14[%dma_start3A_242, %dma_start3A_243] : memref<10240x64xf32, #tpu.memory_space<vmem_shared>> -> memref<10240x64xf32, #tpu.memory_space<vmem_shared>>
      tpu.enqueue_indirect_dma source(%arg12 : memref<125x64xf32, #tpu.memory_space<vmem>>) target(%dma_start3A_244 : memref<10240x64xf32, #tpu.memory_space<vmem_shared>>) offsets(%dma_start3A_241 : memref<125xi32, #tpu.memory_space<vmem>>) semaphore(%arg24 : memref<!tpu.dma_semaphore, #tpu.memory_space<semaphore_mem>>) {add = true}
      %add3A_245 = arith.constant 4 : i32
      %add3A_246 = arith.addi %mul3A_77, %add3A_245 : i32
      %sub3A_247 = arith.constant 3 : i32
      %sub3A_248 = arith.subi %add3A_246, %sub3A_247 : i32
      %dma_wait3A_249 = arith.constant 0 : i32
      %dma_wait3A_250 = tpu.memref_slice %arg7[%sub3A_248, %dma_wait3A_249] : memref<160x125xi32, #tpu.memory_space<vmem>> -> memref<1x125xi32, #tpu.memory_space<vmem>>
      %dma_wait3A_251 = tpu.memref_squeeze %dma_wait3A_250 : memref<1x125xi32, #tpu.memory_space<vmem>> -> memref<125xi32, #tpu.memory_space<vmem>>
      %dma_wait3A_252 = arith.constant 0 : i32
      %dma_wait3A_253 = arith.constant 0 : i32
      %dma_wait3A_254 = tpu.memref_slice %arg14[%dma_wait3A_252, %dma_wait3A_253] : memref<10240x64xf32, #tpu.memory_space<vmem_shared>> -> memref<10240x64xf32, #tpu.memory_space<vmem_shared>>
      tpu.wait_indirect_dma semaphore(%arg21 : memref<!tpu.dma_semaphore, #tpu.memory_space<semaphore_mem>>) src(%arg9 : memref<125x64xf32, #tpu.memory_space<vmem>>) dst(%dma_wait3A_254 : memref<10240x64xf32, #tpu.memory_space<vmem_shared>>)
      %lt3A_255 = arith.constant 31 : i32
      %lt3A_256 = arith.cmpi slt, %scan3A_75, %lt3A_255 : i32
      %convert_element_type3A_257 = arith.extui %lt3A_256 : i1 to i32
      %cond3A_258 = arith.constant 0 : i32
      %cond3A_259 = arith.cmpi ne, %convert_element_type3A_257, %cond3A_258 : i32
      scf.if %cond3A_259 {
        %add3A_260 = arith.constant 4 : i32
        %add3A_261 = arith.addi %mul3A_77, %add3A_260 : i32
        %add3A_262 = arith.constant 2 : i32
        %add3A_263 = arith.addi %add3A_261, %add3A_262 : i32
        %dma_start3A_264 = arith.constant 0 : i32
        %dma_start3A_265 = tpu.memref_slice %arg6[%add3A_263, %dma_start3A_264] : memref<160x125xi32, #tpu.memory_space<vmem>> -> memref<1x125xi32, #tpu.memory_space<vmem>>
        %dma_start3A_266 = tpu.memref_squeeze %dma_start3A_265 : memref<1x125xi32, #tpu.memory_space<vmem>> -> memref<125xi32, #tpu.memory_space<vmem>>
        %dma_start3A_267 = arith.constant 0 : i32
        %dma_start3A_268 = arith.constant 0 : i32
        %dma_start3A_269 = tpu.memref_slice %arg4[%arg0, %dma_start3A_267, %dma_start3A_268] : memref<2x10240x64xf32, #tpu.memory_space<hbm>> -> memref<1x10240x64xf32, #tpu.memory_space<hbm>>
        %dma_start3A_270 = tpu.memref_squeeze %dma_start3A_269 : memref<1x10240x64xf32, #tpu.memory_space<hbm>> -> memref<10240x64xf32, #tpu.memory_space<hbm>>
        %dma_start3A_271 = arith.constant 0 : i32
        %dma_start3A_272 = arith.constant 0 : i32
        %dma_start3A_273 = tpu.memref_slice %dma_start3A_270[%dma_start3A_271, %dma_start3A_272] : memref<10240x64xf32, #tpu.memory_space<hbm>> -> memref<10240x64xf32, #tpu.memory_space<hbm>>
        tpu.enqueue_indirect_dma source(%dma_start3A_273 : memref<10240x64xf32, #tpu.memory_space<hbm>>) target(%arg9 : memref<125x64xf32, #tpu.memory_space<vmem>>) offsets(%dma_start3A_266 : memref<125xi32, #tpu.memory_space<vmem>>) semaphore(%arg16 : memref<!tpu.dma_semaphore, #tpu.memory_space<semaphore_mem>>)
      } else {
      }
    }
    %scan3A_49 = arith.constant 32 : i32
    %dma_wait3A = arith.constant 157 : i32
    %dma_wait3A_50 = arith.constant 0 : i32
    %dma_wait3A_51 = tpu.memref_slice %arg7[%dma_wait3A, %dma_wait3A_50] : memref<160x125xi32, #tpu.memory_space<vmem>> -> memref<1x125xi32, #tpu.memory_space<vmem>>
    %dma_wait3A_52 = tpu.memref_squeeze %dma_wait3A_51 : memref<1x125xi32, #tpu.memory_space<vmem>> -> memref<125xi32, #tpu.memory_space<vmem>>
    %dma_wait3A_53 = arith.constant 0 : i32
    %dma_wait3A_54 = arith.constant 0 : i32
    %dma_wait3A_55 = tpu.memref_slice %arg14[%dma_wait3A_53, %dma_wait3A_54] : memref<10240x64xf32, #tpu.memory_space<vmem_shared>> -> memref<10240x64xf32, #tpu.memory_space<vmem_shared>>
    tpu.wait_indirect_dma semaphore(%arg22 : memref<!tpu.dma_semaphore, #tpu.memory_space<semaphore_mem>>) src(%arg10 : memref<125x64xf32, #tpu.memory_space<vmem>>) dst(%dma_wait3A_55 : memref<10240x64xf32, #tpu.memory_space<vmem_shared>>)
    %dma_wait3A_56 = arith.constant 158 : i32
    %dma_wait3A_57 = arith.constant 0 : i32
    %dma_wait3A_58 = tpu.memref_slice %arg7[%dma_wait3A_56, %dma_wait3A_57] : memref<160x125xi32, #tpu.memory_space<vmem>> -> memref<1x125xi32, #tpu.memory_space<vmem>>
    %dma_wait3A_59 = tpu.memref_squeeze %dma_wait3A_58 : memref<1x125xi32, #tpu.memory_space<vmem>> -> memref<125xi32, #tpu.memory_space<vmem>>
    %dma_wait3A_60 = arith.constant 0 : i32
    %dma_wait3A_61 = arith.constant 0 : i32
    %dma_wait3A_62 = tpu.memref_slice %arg14[%dma_wait3A_60, %dma_wait3A_61] : memref<10240x64xf32, #tpu.memory_space<vmem_shared>> -> memref<10240x64xf32, #tpu.memory_space<vmem_shared>>
    tpu.wait_indirect_dma semaphore(%arg23 : memref<!tpu.dma_semaphore, #tpu.memory_space<semaphore_mem>>) src(%arg11 : memref<125x64xf32, #tpu.memory_space<vmem>>) dst(%dma_wait3A_62 : memref<10240x64xf32, #tpu.memory_space<vmem_shared>>)
    %dma_wait3A_63 = arith.constant 159 : i32
    %dma_wait3A_64 = arith.constant 0 : i32
    %dma_wait3A_65 = tpu.memref_slice %arg7[%dma_wait3A_63, %dma_wait3A_64] : memref<160x125xi32, #tpu.memory_space<vmem>> -> memref<1x125xi32, #tpu.memory_space<vmem>>
    %dma_wait3A_66 = tpu.memref_squeeze %dma_wait3A_65 : memref<1x125xi32, #tpu.memory_space<vmem>> -> memref<125xi32, #tpu.memory_space<vmem>>
    %dma_wait3A_67 = arith.constant 0 : i32
    %dma_wait3A_68 = arith.constant 0 : i32
    %dma_wait3A_69 = tpu.memref_slice %arg14[%dma_wait3A_67, %dma_wait3A_68] : memref<10240x64xf32, #tpu.memory_space<vmem_shared>> -> memref<10240x64xf32, #tpu.memory_space<vmem_shared>>
    tpu.wait_indirect_dma semaphore(%arg24 : memref<!tpu.dma_semaphore, #tpu.memory_space<semaphore_mem>>) src(%arg12 : memref<125x64xf32, #tpu.memory_space<vmem>>) dst(%dma_wait3A_69 : memref<10240x64xf32, #tpu.memory_space<vmem_shared>>)
    %barrier3A_70 = arith.constant 0 : index
    tpu.barrier barrier_id(%barrier3A_70)
    %mul3A_71 = arith.constant 640 : i32
    %mul3A_72 = arith.muli %arg1, %mul3A_71 : i32
    %mul3A_73 = arith.constant 640 : i32
    %mul3A_74 = arith.muli %arg1, %mul3A_73 : i32
    "tpu.region"() ({
      %run_scoped3A = tpu.sem_alloc : memref<!tpu.dma_semaphore, #tpu.memory_space<semaphore_mem>>
      %dma_start3A_75 = arith.constant 0 : i32
      %dma_start3A_76 = tpu.memref_slice %arg5[%arg0, %mul3A_74, %dma_start3A_75] : memref<2x10240x64xf32, #tpu.memory_space<hbm>> -> memref<1x640x64xf32, #tpu.memory_space<hbm>>
      %dma_start3A_77 = tpu.memref_squeeze %dma_start3A_76 : memref<1x640x64xf32, #tpu.memory_space<hbm>> -> memref<640x64xf32, #tpu.memory_space<hbm>>
      %dma_start3A_78 = arith.constant 0 : i32
      %dma_start3A_79 = tpu.memref_slice %arg14[%mul3A_72, %dma_start3A_78] : memref<10240x64xf32, #tpu.memory_space<vmem_shared>> -> memref<640x64xf32, #tpu.memory_space<vmem_shared>>
      tpu.enqueue_dma source(%dma_start3A_79 : memref<640x64xf32, #tpu.memory_space<vmem_shared>>) target(%dma_start3A_77 : memref<640x64xf32, #tpu.memory_space<hbm>>) target_semaphore(%run_scoped3A : memref<!tpu.dma_semaphore, #tpu.memory_space<semaphore_mem>>)
      %dma_wait3A_80 = arith.constant 0 : i32
      %dma_wait3A_81 = tpu.memref_slice %arg5[%arg0, %mul3A_74, %dma_wait3A_80] : memref<2x10240x64xf32, #tpu.memory_space<hbm>> -> memref<1x640x64xf32, #tpu.memory_space<hbm>>
      %dma_wait3A_82 = tpu.memref_squeeze %dma_wait3A_81 : memref<1x640x64xf32, #tpu.memory_space<hbm>> -> memref<640x64xf32, #tpu.memory_space<hbm>>
      %dma_wait3A_83 = arith.constant 0 : i32
      %dma_wait3A_84 = tpu.memref_slice %arg14[%mul3A_72, %dma_wait3A_83] : memref<10240x64xf32, #tpu.memory_space<vmem_shared>> -> memref<640x64xf32, #tpu.memory_space<vmem_shared>>
      tpu.wait_dma2 semaphore(%run_scoped3A : memref<!tpu.dma_semaphore, #tpu.memory_space<semaphore_mem>>) src(%dma_wait3A_84 : memref<640x64xf32, #tpu.memory_space<vmem_shared>>) dst(%dma_wait3A_82 : memref<640x64xf32, #tpu.memory_space<hbm>>)
      tpu.yield
    }) : () -> ()
    return
  }
}

#map = affine_map<(d0, d1) -> (0, 0, 0)>
module attributes {stable_mosaic.version = 14 : i64} {
  func.func @_deg_body(%arg0: i32, %arg1: i32, %arg2: memref<32x80x125xi32, #tpu.memory_space<hbm>>, %arg3: memref<2x1x10240xf32, #tpu.memory_space<hbm>>, %arg4: memref<80x125xi32, #tpu.memory_space<vmem>>, %arg5: memref<128xf32, #tpu.memory_space<vmem>>, %arg6: memref<640xf32, #tpu.memory_space<vmem>>, %arg7: memref<10240xf32, #tpu.memory_space<vmem_shared>>, %arg8: memref<!tpu.dma_semaphore, #tpu.memory_space<semaphore_mem>>) attributes {dimension_semantics = [#tpu.dimension_semantics<core_parallel>, #tpu.dimension_semantics<subcore_parallel>], iteration_bounds = array<i64: 2, 16>, scalar_prefetch = 0 : i64, scratch_operands = 5 : i64, tpu.core_type = #tpu.core_type<sc_vector_subcore>, window_params = [{transform_indices = #map}, {transform_indices = #map}]} {
    %mul3A = arith.constant 16 : i32
    %mul3A_0 = arith.muli %arg0, %mul3A : i32
    %add3A = arith.addi %mul3A_0, %arg1 : i32
    %broadcast_in_dim3A = arith.constant 1.000000e+00 : f32
    %broadcast_in_dim3A_1 = vector.broadcast %broadcast_in_dim3A : f32 to vector<16xf32>
    %swap3A = arith.constant 0 : index
    %swap3A_2 = tpu.vector_load %arg5[%swap3A] {strides = array<i32>} : memref<128xf32, #tpu.memory_space<vmem>>, vector<16xf32>,
    %swap3A_3 = vector.shape_cast %swap3A_2 : vector<16xf32> to vector<16xf32>
    %swap3A_4 = vector.shape_cast %broadcast_in_dim3A_1 : vector<16xf32> to vector<16xf32>
    tpu.vector_store %arg5[%swap3A], %swap3A_4 {strides = array<i32>} : memref<128xf32, #tpu.memory_space<vmem>>, vector<16xf32>,
    %broadcast_in_dim3A_5 = arith.constant 1.000000e+00 : f32
    %broadcast_in_dim3A_6 = vector.broadcast %broadcast_in_dim3A_5 : f32 to vector<16xf32>
    %swap3A_7 = arith.constant 16 : index
    %swap3A_8 = tpu.vector_load %arg5[%swap3A_7] {strides = array<i32>} : memref<128xf32, #tpu.memory_space<vmem>>, vector<16xf32>,
    %swap3A_9 = vector.shape_cast %swap3A_8 : vector<16xf32> to vector<16xf32>
    %swap3A_10 = vector.shape_cast %broadcast_in_dim3A_6 : vector<16xf32> to vector<16xf32>
    tpu.vector_store %arg5[%swap3A_7], %swap3A_10 {strides = array<i32>} : memref<128xf32, #tpu.memory_space<vmem>>, vector<16xf32>,
    %broadcast_in_dim3A_11 = arith.constant 1.000000e+00 : f32
    %broadcast_in_dim3A_12 = vector.broadcast %broadcast_in_dim3A_11 : f32 to vector<16xf32>
    %swap3A_13 = arith.constant 32 : index
    %swap3A_14 = tpu.vector_load %arg5[%swap3A_13] {strides = array<i32>} : memref<128xf32, #tpu.memory_space<vmem>>, vector<16xf32>,
    %swap3A_15 = vector.shape_cast %swap3A_14 : vector<16xf32> to vector<16xf32>
    %swap3A_16 = vector.shape_cast %broadcast_in_dim3A_12 : vector<16xf32> to vector<16xf32>
    tpu.vector_store %arg5[%swap3A_13], %swap3A_16 {strides = array<i32>} : memref<128xf32, #tpu.memory_space<vmem>>, vector<16xf32>,
    %broadcast_in_dim3A_17 = arith.constant 1.000000e+00 : f32
    %broadcast_in_dim3A_18 = vector.broadcast %broadcast_in_dim3A_17 : f32 to vector<16xf32>
    %swap3A_19 = arith.constant 48 : index
    %swap3A_20 = tpu.vector_load %arg5[%swap3A_19] {strides = array<i32>} : memref<128xf32, #tpu.memory_space<vmem>>, vector<16xf32>,
    %swap3A_21 = vector.shape_cast %swap3A_20 : vector<16xf32> to vector<16xf32>
    %swap3A_22 = vector.shape_cast %broadcast_in_dim3A_18 : vector<16xf32> to vector<16xf32>
    tpu.vector_store %arg5[%swap3A_19], %swap3A_22 {strides = array<i32>} : memref<128xf32, #tpu.memory_space<vmem>>, vector<16xf32>,
    %broadcast_in_dim3A_23 = arith.constant 1.000000e+00 : f32
    %broadcast_in_dim3A_24 = vector.broadcast %broadcast_in_dim3A_23 : f32 to vector<16xf32>
    %swap3A_25 = arith.constant 64 : index
    %swap3A_26 = tpu.vector_load %arg5[%swap3A_25] {strides = array<i32>} : memref<128xf32, #tpu.memory_space<vmem>>, vector<16xf32>,
    %swap3A_27 = vector.shape_cast %swap3A_26 : vector<16xf32> to vector<16xf32>
    %swap3A_28 = vector.shape_cast %broadcast_in_dim3A_24 : vector<16xf32> to vector<16xf32>
    tpu.vector_store %arg5[%swap3A_25], %swap3A_28 {strides = array<i32>} : memref<128xf32, #tpu.memory_space<vmem>>, vector<16xf32>,
    %broadcast_in_dim3A_29 = arith.constant 1.000000e+00 : f32
    %broadcast_in_dim3A_30 = vector.broadcast %broadcast_in_dim3A_29 : f32 to vector<16xf32>
    %swap3A_31 = arith.constant 80 : index
    %swap3A_32 = tpu.vector_load %arg5[%swap3A_31] {strides = array<i32>} : memref<128xf32, #tpu.memory_space<vmem>>, vector<16xf32>,
    %swap3A_33 = vector.shape_cast %swap3A_32 : vector<16xf32> to vector<16xf32>
    %swap3A_34 = vector.shape_cast %broadcast_in_dim3A_30 : vector<16xf32> to vector<16xf32>
    tpu.vector_store %arg5[%swap3A_31], %swap3A_34 {strides = array<i32>} : memref<128xf32, #tpu.memory_space<vmem>>, vector<16xf32>,
    %broadcast_in_dim3A_35 = arith.constant 1.000000e+00 : f32
    %broadcast_in_dim3A_36 = vector.broadcast %broadcast_in_dim3A_35 : f32 to vector<16xf32>
    %swap3A_37 = arith.constant 96 : index
    %swap3A_38 = tpu.vector_load %arg5[%swap3A_37] {strides = array<i32>} : memref<128xf32, #tpu.memory_space<vmem>>, vector<16xf32>,
    %swap3A_39 = vector.shape_cast %swap3A_38 : vector<16xf32> to vector<16xf32>
    %swap3A_40 = vector.shape_cast %broadcast_in_dim3A_36 : vector<16xf32> to vector<16xf32>
    tpu.vector_store %arg5[%swap3A_37], %swap3A_40 {strides = array<i32>} : memref<128xf32, #tpu.memory_space<vmem>>, vector<16xf32>,
    %broadcast_in_dim3A_41 = arith.constant 1.000000e+00 : f32
    %broadcast_in_dim3A_42 = vector.broadcast %broadcast_in_dim3A_41 : f32 to vector<16xf32>
    %swap3A_43 = arith.constant 112 : index
    %swap3A_44 = tpu.vector_load %arg5[%swap3A_43] {strides = array<i32>} : memref<128xf32, #tpu.memory_space<vmem>>, vector<16xf32>,
    %swap3A_45 = vector.shape_cast %swap3A_44 : vector<16xf32> to vector<16xf32>
    %swap3A_46 = vector.shape_cast %broadcast_in_dim3A_42 : vector<16xf32> to vector<16xf32>
    tpu.vector_store %arg5[%swap3A_43], %swap3A_46 {strides = array<i32>} : memref<128xf32, #tpu.memory_space<vmem>>, vector<16xf32>,
    %scan3A = arith.constant 0 : i32
    %scan3A_47 = arith.constant 0 : i32
    %scan3A_48 = arith.constant 40 : i32
    %scan3A_49 = arith.addi %scan3A_47, %scan3A_48 : i32
    %scan3A_50 = arith.constant 1 : i32
    scf.for %scan3A_65 = %scan3A_47 to %scan3A_49 step %scan3A_50  : i32 {
      %broadcast_in_dim3A_66 = arith.constant 0.000000e+00 : f32
      %broadcast_in_dim3A_67 = vector.broadcast %broadcast_in_dim3A_66 : f32 to vector<16xf32>
      %mul3A_68 = arith.constant 16 : i32
      %mul3A_69 = arith.muli %scan3A_65, %mul3A_68 : i32
      %swap3A_70 = arith.index_cast %mul3A_69 : i32 to index
      %swap3A_71 = tpu.vector_load %arg6[%swap3A_70] {strides = array<i32>} : memref<640xf32, #tpu.memory_space<vmem>>, vector<16xf32>,
      %swap3A_72 = vector.shape_cast %swap3A_71 : vector<16xf32> to vector<16xf32>
      %swap3A_73 = vector.shape_cast %broadcast_in_dim3A_67 : vector<16xf32> to vector<16xf32>
      tpu.vector_store %arg6[%swap3A_70], %swap3A_73 {strides = array<i32>} : memref<640xf32, #tpu.memory_space<vmem>>, vector<16xf32>,
    }
    %scan3A_51 = arith.constant 40 : i32
    %mul3A_52 = arith.constant 640 : i32
    %mul3A_53 = arith.muli %arg1, %mul3A_52 : i32
    "tpu.region"() ({
      %run_scoped3A_65 = tpu.sem_alloc : memref<!tpu.dma_semaphore, #tpu.memory_space<semaphore_mem>>
      %dma_start3A = tpu.memref_slice %arg7[%mul3A_53] : memref<10240xf32, #tpu.memory_space<vmem_shared>> -> memref<640xf32, #tpu.memory_space<vmem_shared>>
      %dma_start3A_66 = tpu.memref_slice %arg7[%mul3A_53] : memref<10240xf32, #tpu.memory_space<vmem_shared>> -> memref<640xf32, #tpu.memory_space<vmem_shared>>
      tpu.enqueue_dma source(%arg6 : memref<640xf32, #tpu.memory_space<vmem>>) target(%dma_start3A_66 : memref<640xf32, #tpu.memory_space<vmem_shared>>) target_semaphore(%run_scoped3A_65 : memref<!tpu.dma_semaphore, #tpu.memory_space<semaphore_mem>>)
      %dma_wait3A = tpu.memref_slice %arg7[%mul3A_53] : memref<10240xf32, #tpu.memory_space<vmem_shared>> -> memref<640xf32, #tpu.memory_space<vmem_shared>>
      %dma_wait3A_67 = tpu.memref_slice %arg7[%mul3A_53] : memref<10240xf32, #tpu.memory_space<vmem_shared>> -> memref<640xf32, #tpu.memory_space<vmem_shared>>
      tpu.wait_dma2 semaphore(%run_scoped3A_65 : memref<!tpu.dma_semaphore, #tpu.memory_space<semaphore_mem>>) src(%arg6 : memref<640xf32, #tpu.memory_space<vmem>>) dst(%dma_wait3A_67 : memref<640xf32, #tpu.memory_space<vmem_shared>>)
      tpu.yield
    }) : () -> ()
    "tpu.region"() ({
      %run_scoped3A_65 = tpu.sem_alloc : memref<!tpu.dma_semaphore, #tpu.memory_space<semaphore_mem>>
      %dma_start3A = arith.constant 0 : i32
      %dma_start3A_66 = arith.constant 0 : i32
      %dma_start3A_67 = tpu.memref_slice %arg2[%add3A, %dma_start3A, %dma_start3A_66] : memref<32x80x125xi32, #tpu.memory_space<hbm>> -> memref<1x80x125xi32, #tpu.memory_space<hbm>>
      %dma_start3A_68 = tpu.memref_squeeze %dma_start3A_67 : memref<1x80x125xi32, #tpu.memory_space<hbm>> -> memref<80x125xi32, #tpu.memory_space<hbm>>
      %dma_start3A_69 = arith.constant 0 : i32
      %dma_start3A_70 = arith.constant 0 : i32
      %dma_start3A_71 = tpu.memref_slice %arg2[%add3A, %dma_start3A_69, %dma_start3A_70] : memref<32x80x125xi32, #tpu.memory_space<hbm>> -> memref<1x80x125xi32, #tpu.memory_space<hbm>>
      %dma_start3A_72 = tpu.memref_squeeze %dma_start3A_71 : memref<1x80x125xi32, #tpu.memory_space<hbm>> -> memref<80x125xi32, #tpu.memory_space<hbm>>
      tpu.enqueue_dma source(%dma_start3A_72 : memref<80x125xi32, #tpu.memory_space<hbm>>) target(%arg4 : memref<80x125xi32, #tpu.memory_space<vmem>>) target_semaphore(%run_scoped3A_65 : memref<!tpu.dma_semaphore, #tpu.memory_space<semaphore_mem>>)
      %dma_wait3A = arith.constant 0 : i32
      %dma_wait3A_73 = arith.constant 0 : i32
      %dma_wait3A_74 = tpu.memref_slice %arg2[%add3A, %dma_wait3A, %dma_wait3A_73] : memref<32x80x125xi32, #tpu.memory_space<hbm>> -> memref<1x80x125xi32, #tpu.memory_space<hbm>>
      %dma_wait3A_75 = tpu.memref_squeeze %dma_wait3A_74 : memref<1x80x125xi32, #tpu.memory_space<hbm>> -> memref<80x125xi32, #tpu.memory_space<hbm>>
      %dma_wait3A_76 = arith.constant 0 : i32
      %dma_wait3A_77 = arith.constant 0 : i32
      %dma_wait3A_78 = tpu.memref_slice %arg2[%add3A, %dma_wait3A_76, %dma_wait3A_77] : memref<32x80x125xi32, #tpu.memory_space<hbm>> -> memref<1x80x125xi32, #tpu.memory_space<hbm>>
      %dma_wait3A_79 = tpu.memref_squeeze %dma_wait3A_78 : memref<1x80x125xi32, #tpu.memory_space<hbm>> -> memref<80x125xi32, #tpu.memory_space<hbm>>
      tpu.wait_dma2 semaphore(%run_scoped3A_65 : memref<!tpu.dma_semaphore, #tpu.memory_space<semaphore_mem>>) src(%dma_wait3A_79 : memref<80x125xi32, #tpu.memory_space<hbm>>) dst(%arg4 : memref<80x125xi32, #tpu.memory_space<vmem>>)
      tpu.yield
    }) : () -> ()
    %barrier3A = arith.constant 0 : index
    tpu.barrier barrier_id(%barrier3A)
    %scan3A_54 = arith.constant 0 : i32
    %scan3A_55 = arith.constant 0 : i32
    %scan3A_56 = arith.constant 10 : i32
    %scan3A_57 = arith.addi %scan3A_55, %scan3A_56 : i32
    %scan3A_58 = arith.constant 1 : i32
    scf.for %scan3A_65 = %scan3A_55 to %scan3A_57 step %scan3A_58  : i32 {
      %mul3A_66 = arith.constant 8 : i32
      %mul3A_67 = arith.muli %scan3A_65, %mul3A_66 : i32
      %add3A_68 = arith.constant 0 : i32
      %add3A_69 = arith.addi %mul3A_67, %add3A_68 : i32
      %dma_start3A = arith.constant 0 : i32
      %dma_start3A_70 = tpu.memref_slice %arg5[%dma_start3A] : memref<128xf32, #tpu.memory_space<vmem>> -> memref<125xf32, #tpu.memory_space<vmem>>
      %dma_start3A_71 = arith.constant 0 : i32
      %dma_start3A_72 = tpu.memref_slice %arg4[%add3A_69, %dma_start3A_71] : memref<80x125xi32, #tpu.memory_space<vmem>> -> memref<1x125xi32, #tpu.memory_space<vmem>>
      %dma_start3A_73 = tpu.memref_squeeze %dma_start3A_72 : memref<1x125xi32, #tpu.memory_space<vmem>> -> memref<125xi32, #tpu.memory_space<vmem>>
      %dma_start3A_74 = arith.constant 0 : i32
      %dma_start3A_75 = tpu.memref_slice %arg7[%dma_start3A_74] : memref<10240xf32, #tpu.memory_space<vmem_shared>> -> memref<10240xf32, #tpu.memory_space<vmem_shared>>
      tpu.enqueue_indirect_dma source(%dma_start3A_70 : memref<125xf32, #tpu.memory_space<vmem>>) target(%dma_start3A_75 : memref<10240xf32, #tpu.memory_space<vmem_shared>>) offsets(%dma_start3A_73 : memref<125xi32, #tpu.memory_space<vmem>>) semaphore(%arg8 : memref<!tpu.dma_semaphore, #tpu.memory_space<semaphore_mem>>) {add = true}
      %mul3A_76 = arith.constant 8 : i32
      %mul3A_77 = arith.muli %scan3A_65, %mul3A_76 : i32
      %add3A_78 = arith.constant 1 : i32
      %add3A_79 = arith.addi %mul3A_77, %add3A_78 : i32
      %dma_start3A_80 = arith.constant 0 : i32
      %dma_start3A_81 = tpu.memref_slice %arg5[%dma_start3A_80] : memref<128xf32, #tpu.memory_space<vmem>> -> memref<125xf32, #tpu.memory_space<vmem>>
      %dma_start3A_82 = arith.constant 0 : i32
      %dma_start3A_83 = tpu.memref_slice %arg4[%add3A_79, %dma_start3A_82] : memref<80x125xi32, #tpu.memory_space<vmem>> -> memref<1x125xi32, #tpu.memory_space<vmem>>
      %dma_start3A_84 = tpu.memref_squeeze %dma_start3A_83 : memref<1x125xi32, #tpu.memory_space<vmem>> -> memref<125xi32, #tpu.memory_space<vmem>>
      %dma_start3A_85 = arith.constant 0 : i32
      %dma_start3A_86 = tpu.memref_slice %arg7[%dma_start3A_85] : memref<10240xf32, #tpu.memory_space<vmem_shared>> -> memref<10240xf32, #tpu.memory_space<vmem_shared>>
      tpu.enqueue_indirect_dma source(%dma_start3A_81 : memref<125xf32, #tpu.memory_space<vmem>>) target(%dma_start3A_86 : memref<10240xf32, #tpu.memory_space<vmem_shared>>) offsets(%dma_start3A_84 : memref<125xi32, #tpu.memory_space<vmem>>) semaphore(%arg8 : memref<!tpu.dma_semaphore, #tpu.memory_space<semaphore_mem>>) {add = true}
      %mul3A_87 = arith.constant 8 : i32
      %mul3A_88 = arith.muli %scan3A_65, %mul3A_87 : i32
      %add3A_89 = arith.constant 2 : i32
      %add3A_90 = arith.addi %mul3A_88, %add3A_89 : i32
      %dma_start3A_91 = arith.constant 0 : i32
      %dma_start3A_92 = tpu.memref_slice %arg5[%dma_start3A_91] : memref<128xf32, #tpu.memory_space<vmem>> -> memref<125xf32, #tpu.memory_space<vmem>>
      %dma_start3A_93 = arith.constant 0 : i32
      %dma_start3A_94 = tpu.memref_slice %arg4[%add3A_90, %dma_start3A_93] : memref<80x125xi32, #tpu.memory_space<vmem>> -> memref<1x125xi32, #tpu.memory_space<vmem>>
      %dma_start3A_95 = tpu.memref_squeeze %dma_start3A_94 : memref<1x125xi32, #tpu.memory_space<vmem>> -> memref<125xi32, #tpu.memory_space<vmem>>
      %dma_start3A_96 = arith.constant 0 : i32
      %dma_start3A_97 = tpu.memref_slice %arg7[%dma_start3A_96] : memref<10240xf32, #tpu.memory_space<vmem_shared>> -> memref<10240xf32, #tpu.memory_space<vmem_shared>>
      tpu.enqueue_indirect_dma source(%dma_start3A_92 : memref<125xf32, #tpu.memory_space<vmem>>) target(%dma_start3A_97 : memref<10240xf32, #tpu.memory_space<vmem_shared>>) offsets(%dma_start3A_95 : memref<125xi32, #tpu.memory_space<vmem>>) semaphore(%arg8 : memref<!tpu.dma_semaphore, #tpu.memory_space<semaphore_mem>>) {add = true}
      %mul3A_98 = arith.constant 8 : i32
      %mul3A_99 = arith.muli %scan3A_65, %mul3A_98 : i32
      %add3A_100 = arith.constant 3 : i32
      %add3A_101 = arith.addi %mul3A_99, %add3A_100 : i32
      %dma_start3A_102 = arith.constant 0 : i32
      %dma_start3A_103 = tpu.memref_slice %arg5[%dma_start3A_102] : memref<128xf32, #tpu.memory_space<vmem>> -> memref<125xf32, #tpu.memory_space<vmem>>
      %dma_start3A_104 = arith.constant 0 : i32
      %dma_start3A_105 = tpu.memref_slice %arg4[%add3A_101, %dma_start3A_104] : memref<80x125xi32, #tpu.memory_space<vmem>> -> memref<1x125xi32, #tpu.memory_space<vmem>>
      %dma_start3A_106 = tpu.memref_squeeze %dma_start3A_105 : memref<1x125xi32, #tpu.memory_space<vmem>> -> memref<125xi32, #tpu.memory_space<vmem>>
      %dma_start3A_107 = arith.constant 0 : i32
      %dma_start3A_108 = tpu.memref_slice %arg7[%dma_start3A_107] : memref<10240xf32, #tpu.memory_space<vmem_shared>> -> memref<10240xf32, #tpu.memory_space<vmem_shared>>
      tpu.enqueue_indirect_dma source(%dma_start3A_103 : memref<125xf32, #tpu.memory_space<vmem>>) target(%dma_start3A_108 : memref<10240xf32, #tpu.memory_space<vmem_shared>>) offsets(%dma_start3A_106 : memref<125xi32, #tpu.memory_space<vmem>>) semaphore(%arg8 : memref<!tpu.dma_semaphore, #tpu.memory_space<semaphore_mem>>) {add = true}
      %mul3A_109 = arith.constant 8 : i32
      %mul3A_110 = arith.muli %scan3A_65, %mul3A_109 : i32
      %add3A_111 = arith.constant 4 : i32
      %add3A_112 = arith.addi %mul3A_110, %add3A_111 : i32
      %dma_start3A_113 = arith.constant 0 : i32
      %dma_start3A_114 = tpu.memref_slice %arg5[%dma_start3A_113] : memref<128xf32, #tpu.memory_space<vmem>> -> memref<125xf32, #tpu.memory_space<vmem>>
      %dma_start3A_115 = arith.constant 0 : i32
      %dma_start3A_116 = tpu.memref_slice %arg4[%add3A_112, %dma_start3A_115] : memref<80x125xi32, #tpu.memory_space<vmem>> -> memref<1x125xi32, #tpu.memory_space<vmem>>
      %dma_start3A_117 = tpu.memref_squeeze %dma_start3A_116 : memref<1x125xi32, #tpu.memory_space<vmem>> -> memref<125xi32, #tpu.memory_space<vmem>>
      %dma_start3A_118 = arith.constant 0 : i32
      %dma_start3A_119 = tpu.memref_slice %arg7[%dma_start3A_118] : memref<10240xf32, #tpu.memory_space<vmem_shared>> -> memref<10240xf32, #tpu.memory_space<vmem_shared>>
      tpu.enqueue_indirect_dma source(%dma_start3A_114 : memref<125xf32, #tpu.memory_space<vmem>>) target(%dma_start3A_119 : memref<10240xf32, #tpu.memory_space<vmem_shared>>) offsets(%dma_start3A_117 : memref<125xi32, #tpu.memory_space<vmem>>) semaphore(%arg8 : memref<!tpu.dma_semaphore, #tpu.memory_space<semaphore_mem>>) {add = true}
      %mul3A_120 = arith.constant 8 : i32
      %mul3A_121 = arith.muli %scan3A_65, %mul3A_120 : i32
      %add3A_122 = arith.constant 5 : i32
      %add3A_123 = arith.addi %mul3A_121, %add3A_122 : i32
      %dma_start3A_124 = arith.constant 0 : i32
      %dma_start3A_125 = tpu.memref_slice %arg5[%dma_start3A_124] : memref<128xf32, #tpu.memory_space<vmem>> -> memref<125xf32, #tpu.memory_space<vmem>>
      %dma_start3A_126 = arith.constant 0 : i32
      %dma_start3A_127 = tpu.memref_slice %arg4[%add3A_123, %dma_start3A_126] : memref<80x125xi32, #tpu.memory_space<vmem>> -> memref<1x125xi32, #tpu.memory_space<vmem>>
      %dma_start3A_128 = tpu.memref_squeeze %dma_start3A_127 : memref<1x125xi32, #tpu.memory_space<vmem>> -> memref<125xi32, #tpu.memory_space<vmem>>
      %dma_start3A_129 = arith.constant 0 : i32
      %dma_start3A_130 = tpu.memref_slice %arg7[%dma_start3A_129] : memref<10240xf32, #tpu.memory_space<vmem_shared>> -> memref<10240xf32, #tpu.memory_space<vmem_shared>>
      tpu.enqueue_indirect_dma source(%dma_start3A_125 : memref<125xf32, #tpu.memory_space<vmem>>) target(%dma_start3A_130 : memref<10240xf32, #tpu.memory_space<vmem_shared>>) offsets(%dma_start3A_128 : memref<125xi32, #tpu.memory_space<vmem>>) semaphore(%arg8 : memref<!tpu.dma_semaphore, #tpu.memory_space<semaphore_mem>>) {add = true}
      %mul3A_131 = arith.constant 8 : i32
      %mul3A_132 = arith.muli %scan3A_65, %mul3A_131 : i32
      %add3A_133 = arith.constant 6 : i32
      %add3A_134 = arith.addi %mul3A_132, %add3A_133 : i32
      %dma_start3A_135 = arith.constant 0 : i32
      %dma_start3A_136 = tpu.memref_slice %arg5[%dma_start3A_135] : memref<128xf32, #tpu.memory_space<vmem>> -> memref<125xf32, #tpu.memory_space<vmem>>
      %dma_start3A_137 = arith.constant 0 : i32
      %dma_start3A_138 = tpu.memref_slice %arg4[%add3A_134, %dma_start3A_137] : memref<80x125xi32, #tpu.memory_space<vmem>> -> memref<1x125xi32, #tpu.memory_space<vmem>>
      %dma_start3A_139 = tpu.memref_squeeze %dma_start3A_138 : memref<1x125xi32, #tpu.memory_space<vmem>> -> memref<125xi32, #tpu.memory_space<vmem>>
      %dma_start3A_140 = arith.constant 0 : i32
      %dma_start3A_141 = tpu.memref_slice %arg7[%dma_start3A_140] : memref<10240xf32, #tpu.memory_space<vmem_shared>> -> memref<10240xf32, #tpu.memory_space<vmem_shared>>
      tpu.enqueue_indirect_dma source(%dma_start3A_136 : memref<125xf32, #tpu.memory_space<vmem>>) target(%dma_start3A_141 : memref<10240xf32, #tpu.memory_space<vmem_shared>>) offsets(%dma_start3A_139 : memref<125xi32, #tpu.memory_space<vmem>>) semaphore(%arg8 : memref<!tpu.dma_semaphore, #tpu.memory_space<semaphore_mem>>) {add = true}
      %mul3A_142 = arith.constant 8 : i32
      %mul3A_143 = arith.muli %scan3A_65, %mul3A_142 : i32
      %add3A_144 = arith.constant 7 : i32
      %add3A_145 = arith.addi %mul3A_143, %add3A_144 : i32
      %dma_start3A_146 = arith.constant 0 : i32
      %dma_start3A_147 = tpu.memref_slice %arg5[%dma_start3A_146] : memref<128xf32, #tpu.memory_space<vmem>> -> memref<125xf32, #tpu.memory_space<vmem>>
      %dma_start3A_148 = arith.constant 0 : i32
      %dma_start3A_149 = tpu.memref_slice %arg4[%add3A_145, %dma_start3A_148] : memref<80x125xi32, #tpu.memory_space<vmem>> -> memref<1x125xi32, #tpu.memory_space<vmem>>
      %dma_start3A_150 = tpu.memref_squeeze %dma_start3A_149 : memref<1x125xi32, #tpu.memory_space<vmem>> -> memref<125xi32, #tpu.memory_space<vmem>>
      %dma_start3A_151 = arith.constant 0 : i32
      %dma_start3A_152 = tpu.memref_slice %arg7[%dma_start3A_151] : memref<10240xf32, #tpu.memory_space<vmem_shared>> -> memref<10240xf32, #tpu.memory_space<vmem_shared>>
      tpu.enqueue_indirect_dma source(%dma_start3A_147 : memref<125xf32, #tpu.memory_space<vmem>>) target(%dma_start3A_152 : memref<10240xf32, #tpu.memory_space<vmem_shared>>) offsets(%dma_start3A_150 : memref<125xi32, #tpu.memory_space<vmem>>) semaphore(%arg8 : memref<!tpu.dma_semaphore, #tpu.memory_space<semaphore_mem>>) {add = true}
      %mul3A_153 = arith.constant 8 : i32
      %mul3A_154 = arith.muli %scan3A_65, %mul3A_153 : i32
      %add3A_155 = arith.constant 0 : i32
      %add3A_156 = arith.addi %mul3A_154, %add3A_155 : i32
      %dma_wait3A = arith.constant 0 : i32
      %dma_wait3A_157 = tpu.memref_slice %arg5[%dma_wait3A] : memref<128xf32, #tpu.memory_space<vmem>> -> memref<125xf32, #tpu.memory_space<vmem>>
      %dma_wait3A_158 = arith.constant 0 : i32
      %dma_wait3A_159 = tpu.memref_slice %arg4[%add3A_156, %dma_wait3A_158] : memref<80x125xi32, #tpu.memory_space<vmem>> -> memref<1x125xi32, #tpu.memory_space<vmem>>
      %dma_wait3A_160 = tpu.memref_squeeze %dma_wait3A_159 : memref<1x125xi32, #tpu.memory_space<vmem>> -> memref<125xi32, #tpu.memory_space<vmem>>
      %dma_wait3A_161 = arith.constant 0 : i32
      %dma_wait3A_162 = tpu.memref_slice %arg7[%dma_wait3A_161] : memref<10240xf32, #tpu.memory_space<vmem_shared>> -> memref<10240xf32, #tpu.memory_space<vmem_shared>>
      tpu.wait_indirect_dma semaphore(%arg8 : memref<!tpu.dma_semaphore, #tpu.memory_space<semaphore_mem>>) src(%dma_wait3A_157 : memref<125xf32, #tpu.memory_space<vmem>>) dst(%dma_wait3A_162 : memref<10240xf32, #tpu.memory_space<vmem_shared>>)
      %mul3A_163 = arith.constant 8 : i32
      %mul3A_164 = arith.muli %scan3A_65, %mul3A_163 : i32
      %add3A_165 = arith.constant 1 : i32
      %add3A_166 = arith.addi %mul3A_164, %add3A_165 : i32
      %dma_wait3A_167 = arith.constant 0 : i32
      %dma_wait3A_168 = tpu.memref_slice %arg5[%dma_wait3A_167] : memref<128xf32, #tpu.memory_space<vmem>> -> memref<125xf32, #tpu.memory_space<vmem>>
      %dma_wait3A_169 = arith.constant 0 : i32
      %dma_wait3A_170 = tpu.memref_slice %arg4[%add3A_166, %dma_wait3A_169] : memref<80x125xi32, #tpu.memory_space<vmem>> -> memref<1x125xi32, #tpu.memory_space<vmem>>
      %dma_wait3A_171 = tpu.memref_squeeze %dma_wait3A_170 : memref<1x125xi32, #tpu.memory_space<vmem>> -> memref<125xi32, #tpu.memory_space<vmem>>
      %dma_wait3A_172 = arith.constant 0 : i32
      %dma_wait3A_173 = tpu.memref_slice %arg7[%dma_wait3A_172] : memref<10240xf32, #tpu.memory_space<vmem_shared>> -> memref<10240xf32, #tpu.memory_space<vmem_shared>>
      tpu.wait_indirect_dma semaphore(%arg8 : memref<!tpu.dma_semaphore, #tpu.memory_space<semaphore_mem>>) src(%dma_wait3A_168 : memref<125xf32, #tpu.memory_space<vmem>>) dst(%dma_wait3A_173 : memref<10240xf32, #tpu.memory_space<vmem_shared>>)
      %mul3A_174 = arith.constant 8 : i32
      %mul3A_175 = arith.muli %scan3A_65, %mul3A_174 : i32
      %add3A_176 = arith.constant 2 : i32
      %add3A_177 = arith.addi %mul3A_175, %add3A_176 : i32
      %dma_wait3A_178 = arith.constant 0 : i32
      %dma_wait3A_179 = tpu.memref_slice %arg5[%dma_wait3A_178] : memref<128xf32, #tpu.memory_space<vmem>> -> memref<125xf32, #tpu.memory_space<vmem>>
      %dma_wait3A_180 = arith.constant 0 : i32
      %dma_wait3A_181 = tpu.memref_slice %arg4[%add3A_177, %dma_wait3A_180] : memref<80x125xi32, #tpu.memory_space<vmem>> -> memref<1x125xi32, #tpu.memory_space<vmem>>
      %dma_wait3A_182 = tpu.memref_squeeze %dma_wait3A_181 : memref<1x125xi32, #tpu.memory_space<vmem>> -> memref<125xi32, #tpu.memory_space<vmem>>
      %dma_wait3A_183 = arith.constant 0 : i32
      %dma_wait3A_184 = tpu.memref_slice %arg7[%dma_wait3A_183] : memref<10240xf32, #tpu.memory_space<vmem_shared>> -> memref<10240xf32, #tpu.memory_space<vmem_shared>>
      tpu.wait_indirect_dma semaphore(%arg8 : memref<!tpu.dma_semaphore, #tpu.memory_space<semaphore_mem>>) src(%dma_wait3A_179 : memref<125xf32, #tpu.memory_space<vmem>>) dst(%dma_wait3A_184 : memref<10240xf32, #tpu.memory_space<vmem_shared>>)
      %mul3A_185 = arith.constant 8 : i32
      %mul3A_186 = arith.muli %scan3A_65, %mul3A_185 : i32
      %add3A_187 = arith.constant 3 : i32
      %add3A_188 = arith.addi %mul3A_186, %add3A_187 : i32
      %dma_wait3A_189 = arith.constant 0 : i32
      %dma_wait3A_190 = tpu.memref_slice %arg5[%dma_wait3A_189] : memref<128xf32, #tpu.memory_space<vmem>> -> memref<125xf32, #tpu.memory_space<vmem>>
      %dma_wait3A_191 = arith.constant 0 : i32
      %dma_wait3A_192 = tpu.memref_slice %arg4[%add3A_188, %dma_wait3A_191] : memref<80x125xi32, #tpu.memory_space<vmem>> -> memref<1x125xi32, #tpu.memory_space<vmem>>
      %dma_wait3A_193 = tpu.memref_squeeze %dma_wait3A_192 : memref<1x125xi32, #tpu.memory_space<vmem>> -> memref<125xi32, #tpu.memory_space<vmem>>
      %dma_wait3A_194 = arith.constant 0 : i32
      %dma_wait3A_195 = tpu.memref_slice %arg7[%dma_wait3A_194] : memref<10240xf32, #tpu.memory_space<vmem_shared>> -> memref<10240xf32, #tpu.memory_space<vmem_shared>>
      tpu.wait_indirect_dma semaphore(%arg8 : memref<!tpu.dma_semaphore, #tpu.memory_space<semaphore_mem>>) src(%dma_wait3A_190 : memref<125xf32, #tpu.memory_space<vmem>>) dst(%dma_wait3A_195 : memref<10240xf32, #tpu.memory_space<vmem_shared>>)
      %mul3A_196 = arith.constant 8 : i32
      %mul3A_197 = arith.muli %scan3A_65, %mul3A_196 : i32
      %add3A_198 = arith.constant 4 : i32
      %add3A_199 = arith.addi %mul3A_197, %add3A_198 : i32
      %dma_wait3A_200 = arith.constant 0 : i32
      %dma_wait3A_201 = tpu.memref_slice %arg5[%dma_wait3A_200] : memref<128xf32, #tpu.memory_space<vmem>> -> memref<125xf32, #tpu.memory_space<vmem>>
      %dma_wait3A_202 = arith.constant 0 : i32
      %dma_wait3A_203 = tpu.memref_slice %arg4[%add3A_199, %dma_wait3A_202] : memref<80x125xi32, #tpu.memory_space<vmem>> -> memref<1x125xi32, #tpu.memory_space<vmem>>
      %dma_wait3A_204 = tpu.memref_squeeze %dma_wait3A_203 : memref<1x125xi32, #tpu.memory_space<vmem>> -> memref<125xi32, #tpu.memory_space<vmem>>
      %dma_wait3A_205 = arith.constant 0 : i32
      %dma_wait3A_206 = tpu.memref_slice %arg7[%dma_wait3A_205] : memref<10240xf32, #tpu.memory_space<vmem_shared>> -> memref<10240xf32, #tpu.memory_space<vmem_shared>>
      tpu.wait_indirect_dma semaphore(%arg8 : memref<!tpu.dma_semaphore, #tpu.memory_space<semaphore_mem>>) src(%dma_wait3A_201 : memref<125xf32, #tpu.memory_space<vmem>>) dst(%dma_wait3A_206 : memref<10240xf32, #tpu.memory_space<vmem_shared>>)
      %mul3A_207 = arith.constant 8 : i32
      %mul3A_208 = arith.muli %scan3A_65, %mul3A_207 : i32
      %add3A_209 = arith.constant 5 : i32
      %add3A_210 = arith.addi %mul3A_208, %add3A_209 : i32
      %dma_wait3A_211 = arith.constant 0 : i32
      %dma_wait3A_212 = tpu.memref_slice %arg5[%dma_wait3A_211] : memref<128xf32, #tpu.memory_space<vmem>> -> memref<125xf32, #tpu.memory_space<vmem>>
      %dma_wait3A_213 = arith.constant 0 : i32
      %dma_wait3A_214 = tpu.memref_slice %arg4[%add3A_210, %dma_wait3A_213] : memref<80x125xi32, #tpu.memory_space<vmem>> -> memref<1x125xi32, #tpu.memory_space<vmem>>
      %dma_wait3A_215 = tpu.memref_squeeze %dma_wait3A_214 : memref<1x125xi32, #tpu.memory_space<vmem>> -> memref<125xi32, #tpu.memory_space<vmem>>
      %dma_wait3A_216 = arith.constant 0 : i32
      %dma_wait3A_217 = tpu.memref_slice %arg7[%dma_wait3A_216] : memref<10240xf32, #tpu.memory_space<vmem_shared>> -> memref<10240xf32, #tpu.memory_space<vmem_shared>>
      tpu.wait_indirect_dma semaphore(%arg8 : memref<!tpu.dma_semaphore, #tpu.memory_space<semaphore_mem>>) src(%dma_wait3A_212 : memref<125xf32, #tpu.memory_space<vmem>>) dst(%dma_wait3A_217 : memref<10240xf32, #tpu.memory_space<vmem_shared>>)
      %mul3A_218 = arith.constant 8 : i32
      %mul3A_219 = arith.muli %scan3A_65, %mul3A_218 : i32
      %add3A_220 = arith.constant 6 : i32
      %add3A_221 = arith.addi %mul3A_219, %add3A_220 : i32
      %dma_wait3A_222 = arith.constant 0 : i32
      %dma_wait3A_223 = tpu.memref_slice %arg5[%dma_wait3A_222] : memref<128xf32, #tpu.memory_space<vmem>> -> memref<125xf32, #tpu.memory_space<vmem>>
      %dma_wait3A_224 = arith.constant 0 : i32
      %dma_wait3A_225 = tpu.memref_slice %arg4[%add3A_221, %dma_wait3A_224] : memref<80x125xi32, #tpu.memory_space<vmem>> -> memref<1x125xi32, #tpu.memory_space<vmem>>
      %dma_wait3A_226 = tpu.memref_squeeze %dma_wait3A_225 : memref<1x125xi32, #tpu.memory_space<vmem>> -> memref<125xi32, #tpu.memory_space<vmem>>
      %dma_wait3A_227 = arith.constant 0 : i32
      %dma_wait3A_228 = tpu.memref_slice %arg7[%dma_wait3A_227] : memref<10240xf32, #tpu.memory_space<vmem_shared>> -> memref<10240xf32, #tpu.memory_space<vmem_shared>>
      tpu.wait_indirect_dma semaphore(%arg8 : memref<!tpu.dma_semaphore, #tpu.memory_space<semaphore_mem>>) src(%dma_wait3A_223 : memref<125xf32, #tpu.memory_space<vmem>>) dst(%dma_wait3A_228 : memref<10240xf32, #tpu.memory_space<vmem_shared>>)
      %mul3A_229 = arith.constant 8 : i32
      %mul3A_230 = arith.muli %scan3A_65, %mul3A_229 : i32
      %add3A_231 = arith.constant 7 : i32
      %add3A_232 = arith.addi %mul3A_230, %add3A_231 : i32
      %dma_wait3A_233 = arith.constant 0 : i32
      %dma_wait3A_234 = tpu.memref_slice %arg5[%dma_wait3A_233] : memref<128xf32, #tpu.memory_space<vmem>> -> memref<125xf32, #tpu.memory_space<vmem>>
      %dma_wait3A_235 = arith.constant 0 : i32
      %dma_wait3A_236 = tpu.memref_slice %arg4[%add3A_232, %dma_wait3A_235] : memref<80x125xi32, #tpu.memory_space<vmem>> -> memref<1x125xi32, #tpu.memory_space<vmem>>
      %dma_wait3A_237 = tpu.memref_squeeze %dma_wait3A_236 : memref<1x125xi32, #tpu.memory_space<vmem>> -> memref<125xi32, #tpu.memory_space<vmem>>
      %dma_wait3A_238 = arith.constant 0 : i32
      %dma_wait3A_239 = tpu.memref_slice %arg7[%dma_wait3A_238] : memref<10240xf32, #tpu.memory_space<vmem_shared>> -> memref<10240xf32, #tpu.memory_space<vmem_shared>>
      tpu.wait_indirect_dma semaphore(%arg8 : memref<!tpu.dma_semaphore, #tpu.memory_space<semaphore_mem>>) src(%dma_wait3A_234 : memref<125xf32, #tpu.memory_space<vmem>>) dst(%dma_wait3A_239 : memref<10240xf32, #tpu.memory_space<vmem_shared>>)
    }
    %scan3A_59 = arith.constant 10 : i32
    %barrier3A_60 = arith.constant 0 : index
    tpu.barrier barrier_id(%barrier3A_60)
    %mul3A_61 = arith.constant 640 : i32
    %mul3A_62 = arith.muli %arg1, %mul3A_61 : i32
    %mul3A_63 = arith.constant 640 : i32
    %mul3A_64 = arith.muli %arg1, %mul3A_63 : i32
    %run_scoped3A = arith.constant 0 : i32
    "tpu.region"() ({
      %run_scoped3A_65 = tpu.sem_alloc : memref<!tpu.dma_semaphore, #tpu.memory_space<semaphore_mem>>
      %dma_start3A = tpu.memref_slice %arg3[%arg0, %run_scoped3A, %mul3A_64] : memref<2x1x10240xf32, #tpu.memory_space<hbm>> -> memref<1x1x640xf32, #tpu.memory_space<hbm>>
      %dma_start3A_66 = tpu.memref_squeeze %dma_start3A : memref<1x1x640xf32, #tpu.memory_space<hbm>> -> memref<640xf32, #tpu.memory_space<hbm>>
      %dma_start3A_67 = tpu.memref_slice %arg7[%mul3A_62] : memref<10240xf32, #tpu.memory_space<vmem_shared>> -> memref<640xf32, #tpu.memory_space<vmem_shared>>
      tpu.enqueue_dma source(%dma_start3A_67 : memref<640xf32, #tpu.memory_space<vmem_shared>>) target(%dma_start3A_66 : memref<640xf32, #tpu.memory_space<hbm>>) target_semaphore(%run_scoped3A_65 : memref<!tpu.dma_semaphore, #tpu.memory_space<semaphore_mem>>)
      %dma_wait3A = tpu.memref_slice %arg3[%arg0, %run_scoped3A, %mul3A_64] : memref<2x1x10240xf32, #tpu.memory_space<hbm>> -> memref<1x1x640xf32, #tpu.memory_space<hbm>>
      %dma_wait3A_68 = tpu.memref_squeeze %dma_wait3A : memref<1x1x640xf32, #tpu.memory_space<hbm>> -> memref<640xf32, #tpu.memory_space<hbm>>
      %dma_wait3A_69 = tpu.memref_slice %arg7[%mul3A_62] : memref<10240xf32, #tpu.memory_space<vmem_shared>> -> memref<640xf32, #tpu.memory_space<vmem_shared>>
      tpu.wait_dma2 semaphore(%run_scoped3A_65 : memref<!tpu.dma_semaphore, #tpu.memory_space<semaphore_mem>>) src(%dma_wait3A_69 : memref<640xf32, #tpu.memory_space<vmem_shared>>) dst(%dma_wait3A_68 : memref<640xf32, #tpu.memory_space<hbm>>)
      tpu.yield
    }) : () -> ()
    return
  }
}

module attributes {stable_mosaic.version = 14 : i64} {
  func.func @_mms_body(%arg0: i32, %arg1: memref<2000x128xf32, #tpu.memory_space<vmem>>, %arg2: memref<128x128xf32, #tpu.memory_space<vmem>>, %arg3: memref<2000x1xf32, #tpu.memory_space<vmem>>, %arg4: memref<2000x1xf32, #tpu.memory_space<vmem>>, %arg5: memref<2x2000x64xf32, #tpu.memory_space<vmem>>) attributes {dimension_semantics = [#tpu.dimension_semantics<arbitrary>], iteration_bounds = array<i64: 5>, scalar_prefetch = 0 : i64, scratch_operands = 0 : i64, tpu.core_type = #tpu.core_type<tc>, window_params = [{transform_indices = @transform_0, window_bounds = array<i64: 2000, 128>}, {pipeline_mode = #tpu.pipeline_mode<synchronous>, transform_indices = @transform_1, window_bounds = array<i64: 128, 128>}, {transform_indices = @transform_2, window_bounds = array<i64: 2000, 1>}, {transform_indices = @transform_3, window_bounds = array<i64: 2000, 1>}, {transform_indices = @transform_4, window_bounds = array<i64: 2, 2000, 64>}]} {
    %get3A = arith.constant 0 : index
    %get3A_0 = arith.constant 0 : index
    %get3A_1 = vector.load %arg1[%get3A, %get3A_0] : memref<2000x128xf32, #tpu.memory_space<vmem>>, vector<2000x128xf32>
    %get3A_2 = arith.constant 0 : index
    %get3A_3 = arith.constant 0 : index
    %get3A_4 = vector.load %arg3[%get3A_2, %get3A_3] : memref<2000x1xf32, #tpu.memory_space<vmem>>, vector<2000x1xf32>
    %get3A_5 = arith.constant 0 : index
    %get3A_6 = arith.constant 0 : index
    %get3A_7 = vector.load %arg4[%get3A_5, %get3A_6] : memref<2000x1xf32, #tpu.memory_space<vmem>>, vector<2000x1xf32>
    %add3A = arith.addf %get3A_4, %get3A_7 : vector<2000x1xf32>
    %add3A_8 = arith.constant 1.000000e+00 : f32
    %add3A_9 = vector.broadcast %add3A_8 : f32 to vector<2000x1xf32>
    %add3A_10 = arith.addf %add3A, %add3A_9 : vector<2000x1xf32>
    %rsqrt3A = math.rsqrt %add3A_10 : vector<2000x1xf32>
    %mul3A = vector.broadcast %rsqrt3A : vector<2000x1xf32> to vector<2000x128xf32>
    %mul3A_11 = arith.mulf %get3A_1, %mul3A : vector<2000x128xf32>
    %get3A_12 = arith.constant 0 : index
    %get3A_13 = arith.constant 0 : index
    %get3A_14 = vector.load %arg2[%get3A_12, %get3A_13] : memref<128x128xf32, #tpu.memory_space<vmem>>, vector<128x128xf32>
    %dot_general3A = arith.constant dense<0.000000e+00> : vector<2000x128xf32>
    %dot_general3A_15 = tpu.matmul %mul3A_11, %get3A_14, %dot_general3A {dimension_numbers = #tpu.dot_dimension_numbers<[1], [0], [0], [1], [0, 0, 1, 1], [], []>, transpose_lhs_hint = false} : vector<2000x128xf32>, vector<128x128xf32>, vector<2000x128xf32> -> vector<2000x128xf32>
    %slice3A = vector.extract_strided_slice %dot_general3A_15 {offsets = [0, 0], sizes = [2000, 64], strides = [1, 1]} : vector<2000x128xf32> to vector<2000x64xf32>
    %swap3A = arith.constant 0 : index
    %swap3A_16 = arith.constant 0 : index
    %swap3A_17 = arith.constant 0 : index
    %swap3A_18 = vector.load %arg5[%swap3A, %swap3A_16, %swap3A_17] : memref<2x2000x64xf32, #tpu.memory_space<vmem>>, vector<1x2000x64xf32>
    %swap3A_19 = vector.shape_cast %swap3A_18 : vector<1x2000x64xf32> to vector<2000x64xf32>
    %swap3A_20 = vector.shape_cast %slice3A : vector<2000x64xf32> to vector<1x2000x64xf32>
    tpu.vector_store %arg5[%swap3A, %swap3A_16, %swap3A_17], %swap3A_20 {strides = array<i32>} : memref<2x2000x64xf32, #tpu.memory_space<vmem>>, vector<1x2000x64xf32>,
    %slice3A_21 = vector.extract_strided_slice %dot_general3A_15 {offsets = [0, 64], sizes = [2000, 64], strides = [1, 1]} : vector<2000x128xf32> to vector<2000x64xf32>
    %swap3A_22 = arith.constant 1 : index
    %swap3A_23 = arith.constant 0 : index
    %swap3A_24 = arith.constant 0 : index
    %swap3A_25 = vector.load %arg5[%swap3A_22, %swap3A_23, %swap3A_24] : memref<2x2000x64xf32, #tpu.memory_space<vmem>>, vector<1x2000x64xf32>
    %swap3A_26 = vector.shape_cast %swap3A_25 : vector<1x2000x64xf32> to vector<2000x64xf32>
    %swap3A_27 = vector.shape_cast %slice3A_21 : vector<2000x64xf32> to vector<1x2000x64xf32>
    tpu.vector_store %arg5[%swap3A_22, %swap3A_23, %swap3A_24], %swap3A_27 {strides = array<i32>} : memref<2x2000x64xf32, #tpu.memory_space<vmem>>, vector<1x2000x64xf32>,
    return
  }
  func.func @transform_0(%arg0: i32) -> (i32, i32) {
    %c0_i32 = arith.constant 0 : i32
    %c0_i32_0 = arith.constant 0 : i32
    return %arg0, %c0_i32 : i32, i32
  }
  func.func @transform_1(%arg0: i32) -> (i32, i32) {
    %c0_i32 = arith.constant 0 : i32
    %c0_i32_0 = arith.constant 0 : i32
    %c0_i32_1 = arith.constant 0 : i32
    return %c0_i32, %c0_i32_0 : i32, i32
  }
  func.func @transform_2(%arg0: i32) -> (i32, i32) {
    %c0_i32 = arith.constant 0 : i32
    %c0_i32_0 = arith.constant 0 : i32
    return %arg0, %c0_i32 : i32, i32
  }
  func.func @transform_3(%arg0: i32) -> (i32, i32) {
    %c0_i32 = arith.constant 0 : i32
    %c0_i32_0 = arith.constant 0 : i32
    return %arg0, %c0_i32 : i32, i32
  }
  func.func @transform_4(%arg0: i32) -> (i32, i32, i32) {
    %c0_i32 = arith.constant 0 : i32
    %c0_i32_0 = arith.constant 0 : i32
    %c0_i32_1 = arith.constant 0 : i32
    return %c0_i32, %arg0, %c0_i32_0 : i32, i32, i32
  }
}

module attributes {stable_mosaic.version = 14 : i64} {
  func.func @_fin_body(%arg0: i32, %arg1: memref<2x1280x64xf32, #tpu.memory_space<vmem>>, %arg2: memref<2x1280x64xf32, #tpu.memory_space<vmem>>, %arg3: memref<1280x1xf32, #tpu.memory_space<vmem>>, %arg4: memref<1280x1xf32, #tpu.memory_space<vmem>>, %arg5: memref<1280x1xi32, #tpu.memory_space<vmem>>, %arg6: memref<1x128xf32, #tpu.memory_space<vmem>>, %arg7: memref<64x128xf32, #tpu.memory_space<vmem>>) attributes {dimension_semantics = [#tpu.dimension_semantics<arbitrary>], iteration_bounds = array<i64: 8>, scalar_prefetch = 0 : i64, scratch_operands = 0 : i64, tpu.core_type = #tpu.core_type<tc>, window_params = [{transform_indices = @transform_0, window_bounds = array<i64: 2, 1280, 64>}, {transform_indices = @transform_1, window_bounds = array<i64: 2, 1280, 64>}, {transform_indices = @transform_2, window_bounds = array<i64: 1280, 1>}, {transform_indices = @transform_3, window_bounds = array<i64: 1280, 1>}, {transform_indices = @transform_4, window_bounds = array<i64: 1280, 1>}, {pipeline_mode = #tpu.pipeline_mode<synchronous>, transform_indices = @transform_5, window_bounds = array<i64: 1, 128>}, {pipeline_mode = #tpu.pipeline_mode<synchronous>, transform_indices = @transform_6, window_bounds = array<i64: 64, 128>}]} {
    %get3A = arith.constant 0 : index
    %get3A_0 = arith.constant 0 : index
    %get3A_1 = vector.load %arg3[%get3A, %get3A_0] : memref<1280x1xf32, #tpu.memory_space<vmem>>, vector<1280x1xf32>
    %get3A_2 = arith.constant 0 : index
    %get3A_3 = arith.constant 0 : index
    %get3A_4 = vector.load %arg4[%get3A_2, %get3A_3] : memref<1280x1xf32, #tpu.memory_space<vmem>>, vector<1280x1xf32>
    %add3A = arith.addf %get3A_1, %get3A_4 : vector<1280x1xf32>
    %add3A_5 = arith.constant 1.000000e+00 : f32
    %add3A_6 = vector.broadcast %add3A_5 : f32 to vector<1280x1xf32>
    %add3A_7 = arith.addf %add3A, %add3A_6 : vector<1280x1xf32>
    %rsqrt3A = math.rsqrt %add3A_7 : vector<1280x1xf32>
    %get3A_8 = arith.constant 0 : index
    %get3A_9 = arith.constant 0 : index
    %get3A_10 = arith.constant 0 : index
    %get3A_11 = vector.load %arg1[%get3A_8, %get3A_9, %get3A_10] : memref<2x1280x64xf32, #tpu.memory_space<vmem>>, vector<1x1280x64xf32>
    %get3A_12 = vector.shape_cast %get3A_11 : vector<1x1280x64xf32> to vector<1280x64xf32>
    %get3A_13 = arith.constant 0 : index
    %get3A_14 = arith.constant 0 : index
    %get3A_15 = arith.constant 0 : index
    %get3A_16 = vector.load %arg2[%get3A_13, %get3A_14, %get3A_15] : memref<2x1280x64xf32, #tpu.memory_space<vmem>>, vector<1x1280x64xf32>
    %get3A_17 = vector.shape_cast %get3A_16 : vector<1x1280x64xf32> to vector<1280x64xf32>
    %add3A_18 = arith.addf %get3A_12, %get3A_17 : vector<1280x64xf32>
    %get3A_19 = arith.constant 1 : index
    %get3A_20 = arith.constant 0 : index
    %get3A_21 = arith.constant 0 : index
    %get3A_22 = vector.load %arg1[%get3A_19, %get3A_20, %get3A_21] : memref<2x1280x64xf32, #tpu.memory_space<vmem>>, vector<1x1280x64xf32>
    %get3A_23 = vector.shape_cast %get3A_22 : vector<1x1280x64xf32> to vector<1280x64xf32>
    %get3A_24 = arith.constant 1 : index
    %get3A_25 = arith.constant 0 : index
    %get3A_26 = arith.constant 0 : index
    %get3A_27 = vector.load %arg2[%get3A_24, %get3A_25, %get3A_26] : memref<2x1280x64xf32, #tpu.memory_space<vmem>>, vector<1x1280x64xf32>
    %get3A_28 = vector.shape_cast %get3A_27 : vector<1x1280x64xf32> to vector<1280x64xf32>
    %add3A_29 = arith.addf %get3A_23, %get3A_28 : vector<1280x64xf32>
    %concatenate3A = tpu.concatenate %add3A_18, %add3A_29 in 1 : vector<1280x64xf32>, vector<1280x64xf32> -> vector<1280x128xf32>
    %mul3A = vector.broadcast %rsqrt3A : vector<1280x1xf32> to vector<1280x128xf32>
    %mul3A_30 = arith.mulf %mul3A, %concatenate3A : vector<1280x128xf32>
    %get3A_31 = arith.constant 0 : index
    %get3A_32 = arith.constant 0 : index
    %get3A_33 = vector.load %arg6[%get3A_31, %get3A_32] : memref<1x128xf32, #tpu.memory_space<vmem>>, vector<1x128xf32>
    %add3A_34 = vector.broadcast %get3A_33 : vector<1x128xf32> to vector<1280x128xf32>
    %add3A_35 = arith.addf %mul3A_30, %add3A_34 : vector<1280x128xf32>
    %max3A = arith.constant 0.000000e+00 : f32
    %max3A_36 = vector.broadcast %max3A : f32 to vector<1280x128xf32>
    %max3A_37 = arith.maximumf %add3A_35, %max3A_36 : vector<1280x128xf32>
    %get3A_38 = arith.constant 0 : index
    %get3A_39 = arith.constant 0 : index
    %get3A_40 = vector.load %arg5[%get3A_38, %get3A_39] : memref<1280x1xi32, #tpu.memory_space<vmem>>, vector<1280x1xi32>
    %lt3A = arith.constant 64 : i32
    %lt3A_41 = vector.broadcast %lt3A : i32 to vector<1280x1xi32>
    %lt3A_42 = arith.cmpi slt, %get3A_40, %lt3A_41 : vector<1280x1xi32>
    %jit3A = arith.constant 0.000000e+00 : f32
    %broadcast_in_dim3A = vector.shape_cast %lt3A_42 : vector<1280x1xi1> to vector<1280x1xi1>
    %broadcast_in_dim3A_43 = vector.broadcast %broadcast_in_dim3A : vector<1280x1xi1> to vector<1280x128xi1>
    %broadcast_in_dim3A_44 = vector.broadcast %jit3A : f32 to vector<1280x128xf32>
    %select_n3A = arith.select %broadcast_in_dim3A_43, %max3A_37, %broadcast_in_dim3A_44 : vector<1280x128xi1>, vector<1280x128xf32>
    %iota3A = tpu.iota {dimensions = array<i32: 1>} : vector<1x64xi32>
    %get3A_45 = arith.constant 0 : index
    %get3A_46 = arith.constant 0 : index
    %get3A_47 = vector.load %arg5[%get3A_45, %get3A_46] : memref<1280x1xi32, #tpu.memory_space<vmem>>, vector<1280x1xi32>
    %eq3A = vector.broadcast %get3A_47 : vector<1280x1xi32> to vector<1280x64xi32>
    %eq3A_48 = vector.broadcast %iota3A : vector<1x64xi32> to vector<1280x64xi32>
    %eq3A_49 = arith.cmpi eq, %eq3A, %eq3A_48 : vector<1280x64xi32>
    %convert_element_type3A = arith.extui %eq3A_49 : vector<1280x64xi1> to vector<1280x64xi32>
    %convert_element_type3A_50 = arith.sitofp %convert_element_type3A : vector<1280x64xi32> to vector<1280x64xf32>
    %dot_general3A = arith.constant dense<0.000000e+00> : vector<64x128xf32>
    %dot_general3A_51 = tpu.matmul %convert_element_type3A_50, %select_n3A, %dot_general3A {dimension_numbers = #tpu.dot_dimension_numbers<[0], [0], [1], [1], [0, 1, 1, 1], [], []>, transpose_lhs_hint = false} : vector<1280x64xf32>, vector<1280x128xf32>, vector<64x128xf32> -> vector<64x128xf32>
    %eq3A_52 = arith.constant 0 : i32
    %eq3A_53 = arith.cmpi eq, %arg0, %eq3A_52 : i32
    %convert_element_type3A_54 = arith.extui %eq3A_53 : i1 to i32
    %cond3A = arith.constant 0 : i32
    %cond3A_55 = arith.cmpi ne, %convert_element_type3A_54, %cond3A : i32
    scf.if %cond3A_55 {
      %swap3A = arith.constant 0 : index
      %swap3A_60 = arith.constant 0 : index
      %swap3A_61 = vector.load %arg7[%swap3A, %swap3A_60] : memref<64x128xf32, #tpu.memory_space<vmem>>, vector<64x128xf32>
      tpu.vector_store %arg7[%swap3A, %swap3A_60], %dot_general3A_51 {strides = array<i32>} : memref<64x128xf32, #tpu.memory_space<vmem>>, vector<64x128xf32>,
    } else {
    }
    %ne3A = arith.constant 0 : i32
    %ne3A_56 = arith.cmpi ne, %arg0, %ne3A : i32
    %convert_element_type3A_57 = arith.extui %ne3A_56 : i1 to i32
    %cond3A_58 = arith.constant 0 : i32
    %cond3A_59 = arith.cmpi ne, %convert_element_type3A_57, %cond3A_58 : i32
    scf.if %cond3A_59 {
      %get3A_60 = arith.constant 0 : index
      %get3A_61 = arith.constant 0 : index
      %get3A_62 = vector.load %arg7[%get3A_60, %get3A_61] : memref<64x128xf32, #tpu.memory_space<vmem>>, vector<64x128xf32>
      %add3A_63 = arith.addf %get3A_62, %dot_general3A_51 : vector<64x128xf32>
      %swap3A = arith.constant 0 : index
      %swap3A_64 = arith.constant 0 : index
      %swap3A_65 = vector.load %arg7[%swap3A, %swap3A_64] : memref<64x128xf32, #tpu.memory_space<vmem>>, vector<64x128xf32>
      tpu.vector_store %arg7[%swap3A, %swap3A_64], %add3A_63 {strides = array<i32>} : memref<64x128xf32, #tpu.memory_space<vmem>>, vector<64x128xf32>,
    } else {
    }
    return
  }
  func.func @transform_0(%arg0: i32) -> (i32, i32, i32) {
    %c0_i32 = arith.constant 0 : i32
    %c0_i32_0 = arith.constant 0 : i32
    %c0_i32_1 = arith.constant 0 : i32
    return %c0_i32, %arg0, %c0_i32_0 : i32, i32, i32
  }
  func.func @transform_1(%arg0: i32) -> (i32, i32, i32) {
    %c0_i32 = arith.constant 0 : i32
    %c0_i32_0 = arith.constant 0 : i32
    %c0_i32_1 = arith.constant 0 : i32
    return %c0_i32, %arg0, %c0_i32_0 : i32, i32, i32
  }
  func.func @transform_2(%arg0: i32) -> (i32, i32) {
    %c0_i32 = arith.constant 0 : i32
    %c0_i32_0 = arith.constant 0 : i32
    return %arg0, %c0_i32 : i32, i32
  }
  func.func @transform_3(%arg0: i32) -> (i32, i32) {
    %c0_i32 = arith.constant 0 : i32
    %c0_i32_0 = arith.constant 0 : i32
    return %arg0, %c0_i32 : i32, i32
  }
  func.func @transform_4(%arg0: i32) -> (i32, i32) {
    %c0_i32 = arith.constant 0 : i32
    %c0_i32_0 = arith.constant 0 : i32
    return %arg0, %c0_i32 : i32, i32
  }
  func.func @transform_5(%arg0: i32) -> (i32, i32) {
    %c0_i32 = arith.constant 0 : i32
    %c0_i32_0 = arith.constant 0 : i32
    %c0_i32_1 = arith.constant 0 : i32
    return %c0_i32, %c0_i32_0 : i32, i32
  }
  func.func @transform_6(%arg0: i32) -> (i32, i32) {
    %c0_i32 = arith.constant 0 : i32
    %c0_i32_0 = arith.constant 0 : i32
    %c0_i32_1 = arith.constant 0 : i32
    return %c0_i32, %c0_i32_0 : i32, i32
  }
}

</mosaic_0001>

<sc_bundles>
// kernel: kernel.6.cloned.1.call-start
scs
__scs_entry_jumppad:
0x0: {  	(pc) =	sbr.rel $0x88, $3  }
0x1: {  	(tag) =	ssettag $0x0;
	lr =	simm.s32 $0x1  }
0x2: {  	[smem:$0x3F9C] =	sst lr;
	_ =	strace $0xD0000000  }
0x3: {  	_ = 	snop  }
0x4: {  	_ = 	snop  }
0x5: {  	_ = 	snop  }
0x6: {  	_ = 	snop  }
0x7: {  	_ = 	snop  }
__scs_overlays_trampoline_lowered:
0x8: {  	[smem:$0x3FAB] =	sst s0  }
0x9: {  	[smem:$0x3FAC] =	sst s1  }
0xa: {  	[smem:$0x3FAD] =	sst s2  }
0xb: {  	[smem:$0x3FAE] =	sst s3  }
0xc: {  	[smem:$0x3FAF] =	sst s4  }
0xd: {  	[smem:$0x3FB0] =	sst s5  }
0xe: {  	[smem:$0x3FB1] =	sst s6  }
0xf: {  	[smem:$0x3FB2] =	sst s7  }
0x10: {  	[smem:$0x3FB3] =	sst s8  }
0x11: {  	[smem:$0x3FB4] =	sst s9;
	s0 =	simm.s32 @!p0 $0x0  }
0x12: {  	s1 =	sld [smem:$0x3F9A];
	s0 =	simm.s32 @p0 $0x1  }
0x13: {  	[smem:$0x3FB5] =	sst s0;
	s0 =	simm.s32 @!p1 $0x0  }
0x14: {  	s2 =	sld [smem:$0x3F99];
	s0 =	simm.s32 @p1 $0x1  }
0x15: {  	[smem:$0x3FB6] =	sst s0;
	s0 =	simm.s32 @!p2 $0x0  }
0x16: {  	s3 =	sld [smem:$0x3FDB];
	s0 =	simm.s32 @p2 $0x1  }
0x17: {  	s4 =	simm.s32 $0x1BF5;
	[smem:$0x3FB8] =	sst s0  }
0x18: {  	s0 =	sld [smem:$0x3F9B];
	_ =	swait.ge [sflag:s4], $0x0  }
0x19: {  	s7 =	sld [smem:$0x3F9C]  }
0x1a: {  	s8 =	sadd.s32 $0xFFFFE003, lr  }
0x1b: {  	s9 =	sadd.s32 $0xFFFFFEF7, lr;
	s5 =	simm.s32 $0xFFFFFFFF;
	p2 =	slt.u32 s8, $0xFFFFF086  }
0x1c: {  	p1 =	slt.u32 s9, $0xF7A;
	s5 =	simm.s32 @!p2 $0x0  }
0x1d: {  	s5 =	simm.s32 @p1 $0x1;
	p0 =	seq.s32 s7, s2  }
0x1e: {  	s7 =	smul.u32 @!p0 $0xF7A, s2;
	p2 =	seq.s32 @!p0 s5, $0x0  }
0x1f: {  	s9 =	smul.u32 $0xF7A, s1;
	s8 =	simm.s32 @!p0 $0x1BF5;
	p2 =	por !p2, p0  }
0x20: {  	[sflag:s8] =	ssyncset.s32 @!p0 $0xFFFFF086;
	s6 =	sadd.s32 @!p0 s3, s7;
	s7 =	simm.s32 @!p0 $0x108  }
0x21: {  	s3 =	sadd.s32 s3, s9;
	s6 =	sadd.s32 @!p0 $0x88, s6;
	s7 =	simm.s32 @p2 $0x1082  }
0x22: {  	[simem:s7], [sflag:s8] =	dma.local @!p0 [hbm:s6], $0xF7A  }
0x23: {  	s9 =	sor.u32 $0xD0000000, s2;
	s6 =	simm.s32 $0x108;
	_ =	swait.ge @!p0 [sflag:s8], $0x0  }
0x24: {  	s3 =	sadd.s32 $0x88, s3;
	s6 =	simm.s32 @!p1 $0x1082;
	[sflag:s4] =	ssyncset.s32 $0xFFFFF086  }
0x25: {  	[simem:s6], [sflag:s4] =	dma.local [hbm:s3], $0xF7A  }
0x26: {  	[smem:$0x3F9C] =	sst s1;
	(tag) =	ssettag s2;
	_ =	strace s9  }
0x27: {  	s1 =	sld [smem:$0x3FAC]  }
0x28: {  	s2 =	sld [smem:$0x3FAD]  }
0x29: {  	s4 =	sld [smem:$0x3FAF]  }
0x2a: {  	p0 =	seq.s32 s5, $0x0;
	s5 =	sld [smem:$0x3FB0]  }
0x2b: {  	s6 =	sld [smem:$0x3FB1]  }
0x2c: {  	s7 =	sld [smem:$0x3FB2]  }
0x2d: {  	s3 =	simm.s32 $0x108;
	s8 =	sld [smem:$0x3FB3]  }
0x2e: {  	s3 =	simm.s32 @!p0 $0x1082;
	s9 =	sld [smem:$0x3FB4]  }
0x2f: {  	lr =	sadd.s32 s0, s3;
	s0 =	sld [smem:$0x3FAB]  }
0x30: {  	s3 =	sld [smem:$0x3FAE]  }
0x31: {  	[smem:$0x3FB7] =	sst s10  }
0x32: {  	s10 =	sld [smem:$0x3FB5];
	_ =	sdelay $0x3  }
0x33: {  	p0 =	seq.s32 s10, $0x1;
	s10 =	sld [smem:$0x3FB7];
	_ =	sdelay $0x3  }
0x34: {  	[smem:$0x3FB7] =	sst s10  }
0x35: {  	s10 =	sld [smem:$0x3FB6];
	_ =	sdelay $0x3  }
0x36: {  	p1 =	seq.s32 s10, $0x1;
	s10 =	sld [smem:$0x3FB7];
	_ =	sdelay $0x3  }
0x37: {  	[smem:$0x3FB7] =	sst s10  }
0x38: {  	s10 =	sld [smem:$0x3FB8]  }
0x39: {  	_ = 	snop;
	(pc) =	sbr.ind lr, $3  }
0x3a: {  	_ = 	snop  }
0x3b: {  	_ = 	snop  }
0x3c: {  	p2 =	seq.s32 s10, $0x1;
	s10 =	sld [smem:$0x3FB7]  }
0x3d: {  	_ =	shalt  }
0x3e: {  	_ =	shalt  }
0x3f: {  	_ =	shalt  }
0x40: {  	_ =	shalt  }
0x41: {  	_ =	shalt  }
0x42: {  	_ =	shalt  }
0x43: {  	_ =	shalt  }
0x44: {  	_ =	shalt  }
0x45: {  	_ =	shalt  }
0x46: {  	_ =	shalt  }
0x47: {  	_ =	shalt  }
0x48: {  	_ =	shalt  }
0x49: {  	_ =	shalt  }
0x4a: {  	_ =	shalt  }
0x4b: {  	_ =	shalt  }
0x4c: {  	_ =	shalt  }
0x4d: {  	_ =	shalt  }
0x4e: {  	_ =	shalt  }
0x4f: {  	_ =	shalt  }
0x50: {  	_ =	shalt  }
0x51: {  	_ =	shalt  }
0x52: {  	_ =	shalt  }
0x53: {  	_ =	shalt  }
0x54: {  	_ =	shalt  }
0x55: {  	_ =	shalt  }
0x56: {  	_ =	shalt  }
0x57: {  	_ =	shalt  }
0x58: {  	_ =	shalt  }
0x59: {  	_ =	shalt  }
0x5a: {  	_ =	shalt  }
0x5b: {  	_ =	shalt  }
0x5c: {  	_ =	shalt  }
0x5d: {  	_ =	shalt  }
0x5e: {  	_ =	shalt  }
0x5f: {  	_ =	shalt  }
0x60: {  	_ =	shalt  }
0x61: {  	_ =	shalt  }
0x62: {  	_ =	shalt  }
0x63: {  	_ =	shalt  }
0x64: {  	_ =	shalt  }
0x65: {  	_ =	shalt  }
0x66: {  	_ =	shalt  }
0x67: {  	_ =	shalt  }
0x68: {  	_ =	shalt  }
0x69: {  	_ =	shalt  }
0x6a: {  	_ =	shalt  }
0x6b: {  	_ =	shalt  }
0x6c: {  	_ =	shalt  }
0x6d: {  	_ =	shalt  }
0x6e: {  	_ =	shalt  }
0x6f: {  	_ =	shalt  }
0x70: {  	_ =	shalt  }
0x71: {  	_ =	shalt  }
0x72: {  	_ =	shalt  }
0x73: {  	_ =	shalt  }
0x74: {  	_ =	shalt  }
0x75: {  	_ =	shalt  }
0x76: {  	_ =	shalt  }
0x77: {  	_ =	shalt  }
0x78: {  	_ =	shalt  }
0x79: {  	_ =	shalt  }
0x7a: {  	_ =	shalt  }
0x7b: {  	_ =	shalt  }
0x7c: {  	_ =	shalt  }
0x7d: {  	_ =	shalt  }
0x7e: {  	_ =	shalt  }
0x7f: {  	_ =	shalt  }
0x80: {  	_ =	shalt  }
0x81: {  	_ =	shalt  }
0x82: {  	_ =	shalt  }
0x83: {  	_ =	shalt  }
0x84: {  	_ =	shalt  }
0x85: {  	_ =	shalt  }
0x86: {  	_ =	shalt  }
0x87: {  	_ =	shalt  }
.Lfunc_end0:
.L_simem_size_0:
called_computation_lowered:
.L_overlay_start_0:
0x88: {  	s2 =	sld [smem:$0x3FD9]  }
0x89: {  	s3 =	sld [smem:$0x3FFE];
	_ =	sdelay $0x1  }
0x8a: {  	s1 =	srdreg.scid  }
0x8b: {  	s0 =	sand.u32 $0x1, s1  }
0x8c: {  	s16 =	sshll.u32 s0, $0xA;
	s2 =	sadd.s32 s3, s2  }
0x8d: {  	s2 =	sadd.s32 s2, s16  }
0x8e: {  	[smem:$0x3FC3] =	sst s2  }
0x8f: {  	_ = 	snop  }
0x90: {  	(tm) =	ssettm $0x1  }
0x91: {  	s17 =	sld [smem:$0x3FFB];
	_ =	sdelay $0x3  }
0x92: {  	_ =	strace s17  }
0x93: {  	s2 =	sld [smem:$0x3FFC];
	_ =	sdelay $0x3  }
0x94: {  	_ =	strace s2  }
0x95: {  	s2 =	sld [smem:$0x3FFD];
	_ =	sdelay $0x3  }
0x96: {  	_ =	strace s2  }
0x97: {  	_ =	strace $0x8FFFFFFF  }
0x98: {  	s18 =	sld [smem:$0x3FDB];
	_ =	sdelay $0x1  }
0x99: {  	s19 =	simm.s32 $_scs_section_size  }
0x9a: {  	s4 =	simm.s32 $_size__tile_overlayer_lowered;
	s5 =	simm.s32 $_tile_overlayer_lowered  }
0x9b: {  	s22 =	simm.s32 $0x1BFF;
	s21 =	sshll.u32 s5, $0x1;
	s2 =	sadd.s32 s19, s18  }
0x9c: {  	s6 =	simm.s32 $0x0;
	s20 =	sshll.u32 s4, $0x1;
	s4 =	sadd.s32 s21, s2  }
0x9d: {  	[timem:s6], [sflag:s22] =	dma.local [hbm:s4], s20  }
0x9e: {  	_ =	swait.ge [sflag:s22], s20  }
0x9f: {  	s3 =	ssub.s32 $0x0, s20;
	[sflag:s22] =	ssyncset.done $0x0  }
0xa0: {  	[sflag:s22] =	ssyncadd.s32 s3;
	_ =	sdelay $0x1  }
0xa1: {  	s23 =	simm.s32 $0x1B8B  }
0xa2: {  	_ =	swait.ge [sflag:s23], $0x1  }
0xa3: {  	[sflag:s23] =	ssyncset.done $0x0  }
0xa4: {  	s25 =	simm.s32 $0x1B8E;
	s24 =	sld [smem:$0x3FFE];
	[sflag:s23] =	ssyncadd.s32 $0xFFFFFFFF  }
0xa5: {  	s26 =	simm.s32 $execute0_lowered;
	[smem:$0x3FD2] =	sst s25  }
0xa6: {  	s4 =	sshll.u32 s26, $0x1;
	_ =	strace $0x80000046;
	[dreg:$0x1] =	wrdreg $0xFFFFFFFF  }
0xa7: {  	s28 =	simm.s32 $_size_execute0_lowered;
	s2 =	sadd.s32 s2, s4;
	[dreg:$0x0] =	wrdreg $0x0  }
0xa8: {  	s4 =	sshll.u32 s28, $0x1;
	[dreg:$0x2] =	wrdreg s2  }
0xa9: {  	[dreg:$0x3] =	wrdreg s4  }
0xaa: {  	[dreg:$0x4] =	wrdreg $0xC0  }
0xab: {  	_ =	task [dreg:s6], $0x5FFFF  }
0xac: {  	[dreg:$0x1] =	wrdreg $0xFFFFFFFF  }
0xad: {  	[dreg:$0x0] =	wrdreg $0x60  }
0xae: {  	[dreg:$0x2] =	wrdreg s24  }
0xaf: {  	[dreg:$0x3] =	wrdreg $0x2B000  }
0xb0: {  	[dreg:$0x4] =	wrdreg $0x9  }
0xb1: {  	_ =	task.clear_ibuf [dreg:s6], $0x5FFFF;
	_ =	strace $0x90000046  }
0xb2: {  	s29 =	simm.s32 $0x9;
	_ =	strace $0x80000048  }
0xb3: {  	_ =	swait.ge [sflag:s29], $0x1  }
0xb4: {  	[sflag:s29] =	ssyncadd.s32 $0xFFFFFFFF  }
0xb5: {  	_ =	strace $0x90000048  }
0xb6: {  	_ =	sfence  }
0xb7: {  	s30 =	sld [smem:$0x0];
	_ =	sdelay $0x2  }
0xb8: {  	s31 =	sshll.u32 s1, $0xD;
	s1 =	sshrl.u32 s1, $0x2  }
0xb9: {  	s3 =	sand.u32 $0x4000, s31;
	s1 =	sadd.s32 s1, s30  }
0xba: {  	s0 =	sor.u32 s3, s0;
	s1 =	sshll.u32 s1, $0x11  }
0xbb: {  	s0 =	sor.u32 s1, s0  }
0xbc: {  	s0 =	sadd.s32 $0x8F2B, s0  }
0xbd: {  	[sflag:s0] =	ssyncadd.remote.s32 $0x1  }
0xbe: {  	_ =	sfence.sel $0xFFFF  }
0xbf: {  	[dreg:$0x0] =	wrdreg $0xFFFFFFFF;
	(pc) =	sbr.abs _section_cstart, $3  }
0xc0: {  	[dreg:$0x1] =	wrdreg $0xFFFFFFFF  }
0xc1: {  	_ =	task.clear_ibuf [dreg:s6], $0x2FFFF;
	_ =	strace $0x9FFFFFFF  }
0xc2: {  	(tm) =	ssettm $0x7FFFFFFF  }
0xc3: {  	_ =	shalt  }
tec
execute0_lowered:
.L_overlay_start_1:
0x0: {  	(tag) =	ssettag $0x1  }
0x1: {  	s4 =	rddreg [dreg:$0x0];
	s0 =	srdreg.scid  }
0x2: {  	s2 =	rddreg [dreg:$0x1];
	s1 =	stileid.u32  }
0x3: {  	s3 =	simm.s32 $0x0;
	s10 =	simm.s32 $0x7D;
	s11 =	simm.s32 $0x2800  }
0x4: {  	s12 =	simm.s32 $0x1;
	s5 =	sand.u32 $0x1, s0;
	s0 =	rddreg [dreg:$0x2]  }
0x5: {  	s15 =	simm.s32 $0x0;
	s7 =	smul.u32 $0x280, s1;
	[smem:$0x7FF] =	sst s3  }
0x6: {  	s13 =	sshll.u32 s1, $0x6;
	s6 =	sshll.u32 s5, $0x4;
	s8 =	smul.u32 $0x2800, s5  }
0x7: {  	_ =	strace $0x80000047;
	s5 =	ssub.s32 $0x2, s5;
	s6 =	sor.u32 s1, s6  }
0x8: {  	s9 =	sshrl.u32 s5, $0x1;
	s6 =	smul.u32 $0x500, s6;
	s8 =	sadd.s32 s7, s8  }
0x9: {  	s13 =	sor.u32 $0x1C02, s13;
	s9 =	ssub.s32 s5, s9;
	s8 =	sshrl.u32 s8, $0x3  }
0xa: {  	s6 =	sadd.s32 s6, s4;
	s8 =	sadd.s32 s8, s4;
	s4 =	sadd.s32 s7, s2  }
0xb: {  	s7 =	smax.u32 s9, $0x1;
	s9 =	simm.s32 $0x2;
	s5 =	sadd.s32 $0x1400, s6  }
0xc: {  	v0 =	vimm.f32 $1.000000000e+00;
	v1 =	vimm.f32 $0.0e+00;
	s6 =	sadd.s32 $0xB400, s8;
	s8 =	simm.s32 $0x2880;
	s14 =	sshrl.u32 s4, $0x3  }
.LBB2_1:
0xd: {  	[tilespmem:$0x2800] =	vst v0  }
0xe: {  	[tilespmem:$0x2810] =	vst v0  }
0xf: {  	[tilespmem:$0x2820] =	vst v0  }
0x10: {  	[tilespmem:$0x2830] =	vst v0  }
0x11: {  	[tilespmem:$0x2840] =	vst v0  }
0x12: {  	[tilespmem:$0x2850] =	vst v0  }
0x13: {  	[tilespmem:$0x2860] =	vst v0  }
0x14: {  	[tilespmem:$0x2870] =	vst v0  }
0x15: {  	[tilespmem:$0x2880] =	vst v1  }
0x16: {  	[tilespmem:$0x2890] =	vst v1  }
0x17: {  	[tilespmem:$0x28A0] =	vst v1  }
0x18: {  	[tilespmem:$0x28B0] =	vst v1  }
0x19: {  	[tilespmem:$0x28C0] =	vst v1  }
0x1a: {  	[tilespmem:$0x28D0] =	vst v1  }
0x1b: {  	[tilespmem:$0x28E0] =	vst v1  }
0x1c: {  	[tilespmem:$0x28F0] =	vst v1  }
0x1d: {  	[tilespmem:$0x2900] =	vst v1  }
0x1e: {  	[tilespmem:$0x2910] =	vst v1  }
0x1f: {  	[tilespmem:$0x2920] =	vst v1  }
0x20: {  	[tilespmem:$0x2930] =	vst v1  }
0x21: {  	[tilespmem:$0x2940] =	vst v1  }
0x22: {  	[tilespmem:$0x2950] =	vst v1  }
0x23: {  	[tilespmem:$0x2960] =	vst v1  }
0x24: {  	[tilespmem:$0x2970] =	vst v1  }
0x25: {  	[tilespmem:$0x2980] =	vst v1  }
0x26: {  	[tilespmem:$0x2990] =	vst v1  }
0x27: {  	[tilespmem:$0x29A0] =	vst v1  }
0x28: {  	[tilespmem:$0x29B0] =	vst v1  }
0x29: {  	[tilespmem:$0x29C0] =	vst v1  }
0x2a: {  	[tilespmem:$0x29D0] =	vst v1  }
0x2b: {  	[tilespmem:$0x29E0] =	vst v1  }
0x2c: {  	[tilespmem:$0x29F0] =	vst v1  }
0x2d: {  	[tilespmem:$0x2A00] =	vst v1  }
0x2e: {  	[tilespmem:$0x2A10] =	vst v1  }
0x2f: {  	[tilespmem:$0x2A20] =	vst v1  }
0x30: {  	[tilespmem:$0x2A30] =	vst v1  }
0x31: {  	[tilespmem:$0x2A40] =	vst v1  }
0x32: {  	[tilespmem:$0x2A50] =	vst v1  }
0x33: {  	[tilespmem:$0x2A60] =	vst v1  }
0x34: {  	[tilespmem:$0x2A70] =	vst v1  }
0x35: {  	[tilespmem:$0x2A80] =	vst v1  }
0x36: {  	[tilespmem:$0x2A90] =	vst v1  }
0x37: {  	[tilespmem:$0x2AA0] =	vst v1  }
0x38: {  	[tilespmem:$0x2AB0] =	vst v1  }
0x39: {  	[tilespmem:$0x2AC0] =	vst v1  }
0x3a: {  	[tilespmem:$0x2AD0] =	vst v1  }
0x3b: {  	[tilespmem:$0x2AE0] =	vst v1  }
0x3c: {  	[tilespmem:$0x2AF0] =	vst v1  }
0x3d: {  	[spmem:s4] =	stream.linear.scatter [tilespmem:s8], [sflag:$0x2], $0x280, $0x38;
	[tilespmem:$0x2D80] =	vst v63  }
0x3e: {  	_ =	swait.ge [sflag:s9], $0x280  }
0x3f: {  	[sflag:s9] =	ssyncset.done $0x0  }
0x40: {  	[sflag:s9] =	ssyncadd.s32 $0xFFFFFD80  }
0x41: {  	[tilespmem:s3], [sflag:$0x2] =	stream.linear.gather [hbm4b:s5+s3], $0x2800, $0x38;
	[tilespmem:$0x2D80] =	vst v63  }
0x42: {  	_ =	swait.ge [sflag:s9], $0x2800  }
0x43: {  	[sflag:s9] =	ssyncset.done $0x0  }
0x44: {  	[sflag:s9] =	ssyncadd.s32 $0xFFFFD800  }
0x45: {  	s16 =	simm.s32 $0x0;
	[bflag:$0x0] =	sbarrier.arrive $0xFFFF  }
0x46: {  	[spmem:s2] =	stream.indirect.scatter.add.f32 [tilespmem:s11], [sflag:$0x1], $0x1, s16, s10, $0xb8;
	[tilespmem:$0x2D80] =	vst v63  }
0x47: {  	s24 =	simm.s32 $0x80  }
0x48: {  	[spmem:s2] =	stream.indirect.scatter.add.f32 [tilespmem:s11], [sflag:$0x1], $0x1, s24, s10, $0xb8;
	[tilespmem:$0x2D80] =	vst v63  }
0x49: {  	s25 =	simm.s32 $0x100  }
0x4a: {  	[spmem:s2] =	stream.indirect.scatter.add.f32 [tilespmem:s11], [sflag:$0x1], $0x1, s25, s10, $0xb8;
	[tilespmem:$0x2D80] =	vst v63  }
0x4b: {  	s26 =	simm.s32 $0x180  }
0x4c: {  	[spmem:s2] =	stream.indirect.scatter.add.f32 [tilespmem:s11], [sflag:$0x1], $0x1, s26, s10, $0xb8;
	[tilespmem:$0x2D80] =	vst v63  }
0x4d: {  	s28 =	simm.s32 $0x200  }
0x4e: {  	[spmem:s2] =	stream.indirect.scatter.add.f32 [tilespmem:s11], [sflag:$0x1], $0x1, s28, s10, $0xb8;
	[tilespmem:$0x2D80] =	vst v63  }
0x4f: {  	s29 =	simm.s32 $0x280  }
0x50: {  	[spmem:s2] =	stream.indirect.scatter.add.f32 [tilespmem:s11], [sflag:$0x1], $0x1, s29, s10, $0xb8;
	[tilespmem:$0x2D80] =	vst v63  }
0x51: {  	s30 =	simm.s32 $0x300  }
0x52: {  	[spmem:s2] =	stream.indirect.scatter.add.f32 [tilespmem:s11], [sflag:$0x1], $0x1, s30, s10, $0xb8;
	[tilespmem:$0x2D80] =	vst v63  }
0x53: {  	s31 =	simm.s32 $0x380  }
0x54: {  	[spmem:s2] =	stream.indirect.scatter.add.f32 [tilespmem:s11], [sflag:$0x1], $0x1, s31, s10, $0xb8;
	[tilespmem:$0x2D80] =	vst v63  }
0x55: {  	_ =	swait.ge [sflag:s12], $0x7D  }
0x56: {  	[sflag:s12] =	ssyncset.done $0x0  }
0x57: {  	[sflag:s12] =	ssyncadd.s32 $0xFFFFFF83  }
0x58: {  	_ =	swait.ge [sflag:s12], $0x7D  }
0x59: {  	[sflag:s12] =	ssyncset.done $0x0  }
0x5a: {  	[sflag:s12] =	ssyncadd.s32 $0xFFFFFF83  }
0x5b: {  	_ =	swait.ge [sflag:s12], $0x7D  }
0x5c: {  	[sflag:s12] =	ssyncset.done $0x0  }
0x5d: {  	[sflag:s12] =	ssyncadd.s32 $0xFFFFFF83  }
0x5e: {  	_ =	swait.ge [sflag:s12], $0x7D  }
0x5f: {  	[sflag:s12] =	ssyncset.done $0x0  }
0x60: {  	[sflag:s12] =	ssyncadd.s32 $0xFFFFFF83  }
0x61: {  	_ =	swait.ge [sflag:s12], $0x7D  }
0x62: {  	[sflag:s12] =	ssyncset.done $0x0  }
0x63: {  	[sflag:s12] =	ssyncadd.s32 $0xFFFFFF83  }
0x64: {  	_ =	swait.ge [sflag:s12], $0x7D  }
0x65: {  	[sflag:s12] =	ssyncset.done $0x0  }
0x66: {  	[sflag:s12] =	ssyncadd.s32 $0xFFFFFF83  }
0x67: {  	_ =	swait.ge [sflag:s12], $0x7D  }
0x68: {  	[sflag:s12] =	ssyncset.done $0x0  }
0x69: {  	[sflag:s12] =	ssyncadd.s32 $0xFFFFFF83  }
0x6a: {  	_ =	swait.ge [sflag:s12], $0x7D  }
0x6b: {  	s18 =	simm.s32 $0x2000;
	s16 =	simm.s32 $0x1000;
	[sflag:s12] =	ssyncset.done $0x0  }
.LBB2_2:
0x6c: {  	s19 =	sshra.s32 s16, $0x2  }
0x6d: {  	[sflag:s12] =	ssyncadd.s32 $0xFFFFFF83;
	s16 =	smov.u32 s18;
	s17 =	sadd.s32 $0x1000, s18  }
0x6e: {  	[spmem:s2] =	stream.indirect.scatter.add.f32 [tilespmem:s11], [sflag:$0x1], $0x1, s19, s10, $0xb8;
	[tilespmem:$0x2D80] =	vst v63  }
0x6f: {  	p0 =	sne.s32 s18, $0x9000;
	s18 =	sadd.s32 $0x80, s19  }
0x70: {  	[spmem:s2] =	stream.indirect.scatter.add.f32 [tilespmem:s11], [sflag:$0x1], $0x1, s18, s10, $0xb8;
	[tilespmem:$0x2D80] =	vst v63  }
0x71: {  	s18 =	sadd.s32 $0x100, s19  }
0x72: {  	[spmem:s2] =	stream.indirect.scatter.add.f32 [tilespmem:s11], [sflag:$0x1], $0x1, s18, s10, $0xb8;
	[tilespmem:$0x2D80] =	vst v63  }
0x73: {  	s18 =	sadd.s32 $0x180, s19  }
0x74: {  	[spmem:s2] =	stream.indirect.scatter.add.f32 [tilespmem:s11], [sflag:$0x1], $0x1, s18, s10, $0xb8;
	[tilespmem:$0x2D80] =	vst v63  }
0x75: {  	s18 =	sadd.s32 $0x200, s19  }
0x76: {  	[spmem:s2] =	stream.indirect.scatter.add.f32 [tilespmem:s11], [sflag:$0x1], $0x1, s18, s10, $0xb8;
	[tilespmem:$0x2D80] =	vst v63  }
0x77: {  	s18 =	sadd.s32 $0x280, s19  }
0x78: {  	[spmem:s2] =	stream.indirect.scatter.add.f32 [tilespmem:s11], [sflag:$0x1], $0x1, s18, s10, $0xb8;
	[tilespmem:$0x2D80] =	vst v63  }
0x79: {  	s18 =	sadd.s32 $0x300, s19  }
0x7a: {  	[spmem:s2] =	stream.indirect.scatter.add.f32 [tilespmem:s11], [sflag:$0x1], $0x1, s18, s10, $0xb8;
	[tilespmem:$0x2D80] =	vst v63  }
0x7b: {  	s18 =	sadd.s32 $0x380, s19  }
0x7c: {  	[spmem:s2] =	stream.indirect.scatter.add.f32 [tilespmem:s11], [sflag:$0x1], $0x1, s18, s10, $0xb8;
	[tilespmem:$0x2D80] =	vst v63  }
0x7d: {  	_ =	swait.ge [sflag:s12], $0x7D  }
0x7e: {  	[sflag:s12] =	ssyncset.done $0x0  }
0x7f: {  	[sflag:s12] =	ssyncadd.s32 $0xFFFFFF83  }
0x80: {  	_ =	swait.ge [sflag:s12], $0x7D  }
0x81: {  	[sflag:s12] =	ssyncset.done $0x0  }
0x82: {  	[sflag:s12] =	ssyncadd.s32 $0xFFFFFF83  }
0x83: {  	_ =	swait.ge [sflag:s12], $0x7D  }
0x84: {  	[sflag:s12] =	ssyncset.done $0x0  }
0x85: {  	[sflag:s12] =	ssyncadd.s32 $0xFFFFFF83  }
0x86: {  	_ =	swait.ge [sflag:s12], $0x7D  }
0x87: {  	[sflag:s12] =	ssyncset.done $0x0  }
0x88: {  	[sflag:s12] =	ssyncadd.s32 $0xFFFFFF83  }
0x89: {  	_ =	swait.ge [sflag:s12], $0x7D  }
0x8a: {  	[sflag:s12] =	ssyncset.done $0x0  }
0x8b: {  	[sflag:s12] =	ssyncadd.s32 $0xFFFFFF83  }
0x8c: {  	_ =	swait.ge [sflag:s12], $0x7D  }
0x8d: {  	[sflag:s12] =	ssyncset.done $0x0  }
0x8e: {  	[sflag:s12] =	ssyncadd.s32 $0xFFFFFF83  }
.Ltmp0:
0x8f: {  	_ =	swait.ge [sflag:s12], $0x7D;
	(pc) =	sbr.rel @p0 .LBB2_2-.Ltmp0, $4  }
0x90: {  	[sflag:s12] =	ssyncset.done $0x0  }
0x91: {  	[sflag:s12] =	ssyncadd.s32 $0xFFFFFF83  }
0x92: {  	_ =	swait.ge [sflag:s12], $0x7D  }
0x93: {  	s18 =	smov.u32 s17;
	[sflag:s12] =	ssyncset.done $0x0  }
0x94: {  	s16 =	sshra.s32 s16, $0x2;
	[sflag:s12] =	ssyncadd.s32 $0xFFFFFF83  }
0x95: {  	[spmem:s2] =	stream.indirect.scatter.add.f32 [tilespmem:s11], [sflag:$0x1], $0x1, s16, s10, $0xb8;
	[tilespmem:$0x2D80] =	vst v63  }
0x96: {  	s17 =	sadd.s32 $0x80, s16  }
0x97: {  	[spmem:s2] =	stream.indirect.scatter.add.f32 [tilespmem:s11], [sflag:$0x1], $0x1, s17, s10, $0xb8;
	[tilespmem:$0x2D80] =	vst v63  }
0x98: {  	s26 =	sadd.s32 $0x100, s16  }
0x99: {  	[spmem:s2] =	stream.indirect.scatter.add.f32 [tilespmem:s11], [sflag:$0x1], $0x1, s26, s10, $0xb8;
	[tilespmem:$0x2D80] =	vst v63  }
0x9a: {  	s28 =	sadd.s32 $0x180, s16  }
0x9b: {  	[spmem:s2] =	stream.indirect.scatter.add.f32 [tilespmem:s11], [sflag:$0x1], $0x1, s28, s10, $0xb8;
	[tilespmem:$0x2D80] =	vst v63  }
0x9c: {  	s29 =	sadd.s32 $0x200, s16  }
0x9d: {  	[spmem:s2] =	stream.indirect.scatter.add.f32 [tilespmem:s11], [sflag:$0x1], $0x1, s29, s10, $0xb8;
	[tilespmem:$0x2D80] =	vst v63  }
0x9e: {  	s30 =	sadd.s32 $0x280, s16  }
0x9f: {  	[spmem:s2] =	stream.indirect.scatter.add.f32 [tilespmem:s11], [sflag:$0x1], $0x1, s30, s10, $0xb8;
	[tilespmem:$0x2D80] =	vst v63  }
0xa0: {  	s31 =	sadd.s32 $0x300, s16  }
0xa1: {  	[spmem:s2] =	stream.indirect.scatter.add.f32 [tilespmem:s11], [sflag:$0x1], $0x1, s31, s10, $0xb8;
	[tilespmem:$0x2D80] =	vst v63  }
0xa2: {  	s16 =	sadd.s32 $0x380, s16  }
0xa3: {  	[spmem:s2] =	stream.indirect.scatter.add.f32 [tilespmem:s11], [sflag:$0x1], $0x1, s16, s10, $0xb8;
	[tilespmem:$0x2D80] =	vst v63  }
0xa4: {  	_ =	swait.ge [sflag:s12], $0x7D  }
0xa5: {  	[sflag:s12] =	ssyncset.done $0x0  }
0xa6: {  	[sflag:s12] =	ssyncadd.s32 $0xFFFFFF83  }
0xa7: {  	_ =	swait.ge [sflag:s12], $0x7D  }
0xa8: {  	[sflag:s12] =	ssyncset.done $0x0  }
0xa9: {  	[sflag:s12] =	ssyncadd.s32 $0xFFFFFF83  }
0xaa: {  	_ =	swait.ge [sflag:s12], $0x7D  }
0xab: {  	[sflag:s12] =	ssyncset.done $0x0  }
0xac: {  	[sflag:s12] =	ssyncadd.s32 $0xFFFFFF83  }
0xad: {  	_ =	swait.ge [sflag:s12], $0x7D  }
0xae: {  	[sflag:s12] =	ssyncset.done $0x0  }
0xaf: {  	[sflag:s12] =	ssyncadd.s32 $0xFFFFFF83  }
0xb0: {  	_ =	swait.ge [sflag:s12], $0x7D  }
0xb1: {  	[sflag:s12] =	ssyncset.done $0x0  }
0xb2: {  	[sflag:s12] =	ssyncadd.s32 $0xFFFFFF83  }
0xb3: {  	_ =	swait.ge [sflag:s12], $0x7D  }
0xb4: {  	[sflag:s12] =	ssyncset.done $0x0  }
0xb5: {  	[sflag:s12] =	ssyncadd.s32 $0xFFFFFF83  }
0xb6: {  	_ =	swait.ge [sflag:s12], $0x7D  }
0xb7: {  	[sflag:s12] =	ssyncset.done $0x0  }
0xb8: {  	[sflag:s12] =	ssyncadd.s32 $0xFFFFFF83  }
0xb9: {  	_ =	swait.ge [sflag:s12], $0x7D  }
0xba: {  	s15 =	sadd.s32 $0x1, s15;
	[sflag:s12] =	ssyncset.done $0x0  }
0xbb: {  	p0 =	sne.s32 s15, s7;
	[sflag:s12] =	ssyncadd.s32 $0xFFFFFF83  }
.Ltmp1:
0xbc: {  	[bflag:$0x0] =	sbarrier.arrive $0xFFFF;
	(pc) =	sbr.rel @p0 .LBB2_1-.Ltmp1, $4  }
0xbd: {  	[hbm:s6], [sflag:s13] =	dma.local [spmem:s14], $0x50  }
0xbe: {  	_ =	swait.ge [sflag:s9], $0x50  }
0xbf: {  	[sflag:s9] =	ssyncset.done $0x0  }
0xc0: {  	[sflag:s9] =	ssyncadd.s32 $0xFFFFFFB0  }
0xc1: {  	_ =	sfence.sel $0x180000  }
0xc2: {  	[bflag:$0x0] =	sbarrier.arrive $0xFFFF  }
0xc3: {  	p0 =	sne.s32 s1, $0x0;
	_ =	strace $0x90000047  }
0xc4: {  	s0 =	sadd.s32 @!p0 $0x100000, s0;
	[bflag:$0x2] =	sbarrier.arrive $0xFFFF  }
0xc5: {  	[sflag:s0] =	ssyncadd.tile.s32 @!p0 $0x1;
	_ =	shalt  }
.Lfunc_end2:
_tile_overlayer_lowered:
.L_overlay_start_2:
0xc6: {  	(tag) =	ssettag $0x2  }
0xc7: {  	s0 =	rddreg [dreg:$0x0];
	s2 =	stileid.u32  }
0xc8: {  	s1 =	rddreg [dreg:$0x1];
	p0 =	sne.s32 s2, $0x0  }
0xc9: {  	s3 =	rddreg [dreg:$0x2];
	[bflag:$0x3] =	sbarrier.arrive $0xFFFF;
	s2 =	simm.s32 @!p0 $0x1C02  }
0xca: {  	[timem:s3], [sflag:s2] =	dma.local @!p0 [hbm:s0], s1  }
0xcb: {  	s0 =	simm.s32 @!p0 $0x2  }
0xcc: {  	_ =	swait.ge @!p0 [sflag:s0], s1  }
0xcd: {  	s1 =	ssub.s32 @!p0 $0x0, s1;
	[sflag:s0] =	ssyncset.done @!p0 $0x0  }
0xce: {  	[sflag:s0] =	ssyncadd.s32 @!p0 s1  }
0xcf: {  	[bflag:$0x3] =	sbarrier.arrive $0xFFFF  }
0xd0: {  	_ =	shalt  }

// kernel: kernel.9.cloned.1.call-start
scs
__scs_entry_jumppad:
0x0: {  	(pc) =	sbr.rel $0x88, $3  }
0x1: {  	(tag) =	ssettag $0x0;
	lr =	simm.s32 $0x1  }
0x2: {  	[smem:$0x3F9C] =	sst lr;
	_ =	strace $0xD0000000  }
0x3: {  	_ = 	snop  }
0x4: {  	_ = 	snop  }
0x5: {  	_ = 	snop  }
0x6: {  	_ = 	snop  }
0x7: {  	_ = 	snop  }
__scs_overlays_trampoline_lowered:
0x8: {  	[smem:$0x3FAB] =	sst s0  }
0x9: {  	[smem:$0x3FAC] =	sst s1  }
0xa: {  	[smem:$0x3FAD] =	sst s2  }
0xb: {  	[smem:$0x3FAE] =	sst s3  }
0xc: {  	[smem:$0x3FAF] =	sst s4  }
0xd: {  	[smem:$0x3FB0] =	sst s5  }
0xe: {  	[smem:$0x3FB1] =	sst s6  }
0xf: {  	[smem:$0x3FB2] =	sst s7  }
0x10: {  	[smem:$0x3FB3] =	sst s8  }
0x11: {  	[smem:$0x3FB4] =	sst s9;
	s0 =	simm.s32 @!p0 $0x0  }
0x12: {  	s1 =	sld [smem:$0x3F9A];
	s0 =	simm.s32 @p0 $0x1  }
0x13: {  	[smem:$0x3FB5] =	sst s0;
	s0 =	simm.s32 @!p1 $0x0  }
0x14: {  	s2 =	sld [smem:$0x3F99];
	s0 =	simm.s32 @p1 $0x1  }
0x15: {  	[smem:$0x3FB6] =	sst s0;
	s0 =	simm.s32 @!p2 $0x0  }
0x16: {  	s3 =	sld [smem:$0x3FDB];
	s0 =	simm.s32 @p2 $0x1  }
0x17: {  	s4 =	simm.s32 $0x1BF5;
	[smem:$0x3FB8] =	sst s0  }
0x18: {  	s0 =	sld [smem:$0x3F9B];
	_ =	swait.ge [sflag:s4], $0x0  }
0x19: {  	s7 =	sld [smem:$0x3F9C]  }
0x1a: {  	s8 =	sadd.s32 $0xFFFFE003, lr  }
0x1b: {  	s9 =	sadd.s32 $0xFFFFFEF7, lr;
	s5 =	simm.s32 $0xFFFFFFFF;
	p2 =	slt.u32 s8, $0xFFFFF086  }
0x1c: {  	p1 =	slt.u32 s9, $0xF7A;
	s5 =	simm.s32 @!p2 $0x0  }
0x1d: {  	s5 =	simm.s32 @p1 $0x1;
	p0 =	seq.s32 s7, s2  }
0x1e: {  	s7 =	smul.u32 @!p0 $0xF7A, s2;
	p2 =	seq.s32 @!p0 s5, $0x0  }
0x1f: {  	s9 =	smul.u32 $0xF7A, s1;
	s8 =	simm.s32 @!p0 $0x1BF5;
	p2 =	por !p2, p0  }
0x20: {  	[sflag:s8] =	ssyncset.s32 @!p0 $0xFFFFF086;
	s6 =	sadd.s32 @!p0 s3, s7;
	s7 =	simm.s32 @!p0 $0x108  }
0x21: {  	s3 =	sadd.s32 s3, s9;
	s6 =	sadd.s32 @!p0 $0x88, s6;
	s7 =	simm.s32 @p2 $0x1082  }
0x22: {  	[simem:s7], [sflag:s8] =	dma.local @!p0 [hbm:s6], $0xF7A  }
0x23: {  	s9 =	sor.u32 $0xD0000000, s2;
	s6 =	simm.s32 $0x108;
	_ =	swait.ge @!p0 [sflag:s8], $0x0  }
0x24: {  	s3 =	sadd.s32 $0x88, s3;
	s6 =	simm.s32 @!p1 $0x1082;
	[sflag:s4] =	ssyncset.s32 $0xFFFFF086  }
0x25: {  	[simem:s6], [sflag:s4] =	dma.local [hbm:s3], $0xF7A  }
0x26: {  	[smem:$0x3F9C] =	sst s1;
	(tag) =	ssettag s2;
	_ =	strace s9  }
0x27: {  	s1 =	sld [smem:$0x3FAC]  }
0x28: {  	s2 =	sld [smem:$0x3FAD]  }
0x29: {  	s4 =	sld [smem:$0x3FAF]  }
0x2a: {  	p0 =	seq.s32 s5, $0x0;
	s5 =	sld [smem:$0x3FB0]  }
0x2b: {  	s6 =	sld [smem:$0x3FB1]  }
0x2c: {  	s7 =	sld [smem:$0x3FB2]  }
0x2d: {  	s3 =	simm.s32 $0x108;
	s8 =	sld [smem:$0x3FB3]  }
0x2e: {  	s3 =	simm.s32 @!p0 $0x1082;
	s9 =	sld [smem:$0x3FB4]  }
0x2f: {  	lr =	sadd.s32 s0, s3;
	s0 =	sld [smem:$0x3FAB]  }
0x30: {  	s3 =	sld [smem:$0x3FAE]  }
0x31: {  	[smem:$0x3FB7] =	sst s10  }
0x32: {  	s10 =	sld [smem:$0x3FB5];
	_ =	sdelay $0x3  }
0x33: {  	p0 =	seq.s32 s10, $0x1;
	s10 =	sld [smem:$0x3FB7];
	_ =	sdelay $0x3  }
0x34: {  	[smem:$0x3FB7] =	sst s10  }
0x35: {  	s10 =	sld [smem:$0x3FB6];
	_ =	sdelay $0x3  }
0x36: {  	p1 =	seq.s32 s10, $0x1;
	s10 =	sld [smem:$0x3FB7];
	_ =	sdelay $0x3  }
0x37: {  	[smem:$0x3FB7] =	sst s10  }
0x38: {  	s10 =	sld [smem:$0x3FB8]  }
0x39: {  	_ = 	snop;
	(pc) =	sbr.ind lr, $3  }
0x3a: {  	_ = 	snop  }
0x3b: {  	_ = 	snop  }
0x3c: {  	p2 =	seq.s32 s10, $0x1;
	s10 =	sld [smem:$0x3FB7]  }
0x3d: {  	_ =	shalt  }
0x3e: {  	_ =	shalt  }
0x3f: {  	_ =	shalt  }
0x40: {  	_ =	shalt  }
0x41: {  	_ =	shalt  }
0x42: {  	_ =	shalt  }
0x43: {  	_ =	shalt  }
0x44: {  	_ =	shalt  }
0x45: {  	_ =	shalt  }
0x46: {  	_ =	shalt  }
0x47: {  	_ =	shalt  }
0x48: {  	_ =	shalt  }
0x49: {  	_ =	shalt  }
0x4a: {  	_ =	shalt  }
0x4b: {  	_ =	shalt  }
0x4c: {  	_ =	shalt  }
0x4d: {  	_ =	shalt  }
0x4e: {  	_ =	shalt  }
0x4f: {  	_ =	shalt  }
0x50: {  	_ =	shalt  }
0x51: {  	_ =	shalt  }
0x52: {  	_ =	shalt  }
0x53: {  	_ =	shalt  }
0x54: {  	_ =	shalt  }
0x55: {  	_ =	shalt  }
0x56: {  	_ =	shalt  }
0x57: {  	_ =	shalt  }
0x58: {  	_ =	shalt  }
0x59: {  	_ =	shalt  }
0x5a: {  	_ =	shalt  }
0x5b: {  	_ =	shalt  }
0x5c: {  	_ =	shalt  }
0x5d: {  	_ =	shalt  }
0x5e: {  	_ =	shalt  }
0x5f: {  	_ =	shalt  }
0x60: {  	_ =	shalt  }
0x61: {  	_ =	shalt  }
0x62: {  	_ =	shalt  }
0x63: {  	_ =	shalt  }
0x64: {  	_ =	shalt  }
0x65: {  	_ =	shalt  }
0x66: {  	_ =	shalt  }
0x67: {  	_ =	shalt  }
0x68: {  	_ =	shalt  }
0x69: {  	_ =	shalt  }
0x6a: {  	_ =	shalt  }
0x6b: {  	_ =	shalt  }
0x6c: {  	_ =	shalt  }
0x6d: {  	_ =	shalt  }
0x6e: {  	_ =	shalt  }
0x6f: {  	_ =	shalt  }
0x70: {  	_ =	shalt  }
0x71: {  	_ =	shalt  }
0x72: {  	_ =	shalt  }
0x73: {  	_ =	shalt  }
0x74: {  	_ =	shalt  }
0x75: {  	_ =	shalt  }
0x76: {  	_ =	shalt  }
0x77: {  	_ =	shalt  }
0x78: {  	_ =	shalt  }
0x79: {  	_ =	shalt  }
0x7a: {  	_ =	shalt  }
0x7b: {  	_ =	shalt  }
0x7c: {  	_ =	shalt  }
0x7d: {  	_ =	shalt  }
0x7e: {  	_ =	shalt  }
0x7f: {  	_ =	shalt  }
0x80: {  	_ =	shalt  }
0x81: {  	_ =	shalt  }
0x82: {  	_ =	shalt  }
0x83: {  	_ =	shalt  }
0x84: {  	_ =	shalt  }
0x85: {  	_ =	shalt  }
0x86: {  	_ =	shalt  }
0x87: {  	_ =	shalt  }
.Lfunc_end0:
.L_simem_size_0:
called_computation.1_lowered:
.L_overlay_start_0:
0x88: {  	s2 =	sld [smem:$0x3FD9]  }
0x89: {  	s3 =	sld [smem:$0x3FFE];
	_ =	sdelay $0x1  }
0x8a: {  	s1 =	srdreg.scid  }
0x8b: {  	s0 =	sand.u32 $0x1, s1  }
0x8c: {  	s16 =	sshll.u32 s0, $0xA;
	s2 =	sadd.s32 s3, s2  }
0x8d: {  	s2 =	sadd.s32 s2, s16  }
0x8e: {  	[smem:$0x3FC3] =	sst s2  }
0x8f: {  	_ = 	snop  }
0x90: {  	(tm) =	ssettm $0x1  }
0x91: {  	s17 =	sld [smem:$0x3FFB];
	_ =	sdelay $0x3  }
0x92: {  	_ =	strace s17  }
0x93: {  	s2 =	sld [smem:$0x3FFC];
	_ =	sdelay $0x3  }
0x94: {  	_ =	strace s2  }
0x95: {  	s2 =	sld [smem:$0x3FFD];
	_ =	sdelay $0x3  }
0x96: {  	_ =	strace s2  }
0x97: {  	_ =	strace $0x8FFFFFFF  }
0x98: {  	s18 =	sld [smem:$0x3FDB];
	_ =	sdelay $0x1  }
0x99: {  	s19 =	simm.s32 $_scs_section_size  }
0x9a: {  	s4 =	simm.s32 $_size__tile_overlayer_lowered;
	s5 =	simm.s32 $_tile_overlayer_lowered  }
0x9b: {  	s22 =	simm.s32 $0x1BFF;
	s21 =	sshll.u32 s5, $0x1;
	s2 =	sadd.s32 s19, s18  }
0x9c: {  	s6 =	simm.s32 $0x0;
	s20 =	sshll.u32 s4, $0x1;
	s4 =	sadd.s32 s21, s2  }
0x9d: {  	[timem:s6], [sflag:s22] =	dma.local [hbm:s4], s20  }
0x9e: {  	_ =	swait.ge [sflag:s22], s20  }
0x9f: {  	s3 =	ssub.s32 $0x0, s20;
	[sflag:s22] =	ssyncset.done $0x0  }
0xa0: {  	[sflag:s22] =	ssyncadd.s32 s3;
	_ =	sdelay $0x1  }
0xa1: {  	s23 =	simm.s32 $0x1B8B  }
0xa2: {  	_ =	swait.ge [sflag:s23], $0x1  }
0xa3: {  	[sflag:s23] =	ssyncset.done $0x0  }
0xa4: {  	s25 =	simm.s32 $0x1B8E;
	s24 =	sld [smem:$0x3FFE];
	[sflag:s23] =	ssyncadd.s32 $0xFFFFFFFF  }
0xa5: {  	s26 =	simm.s32 $execute0_lowered;
	[smem:$0x3FD2] =	sst s25  }
0xa6: {  	s4 =	sshll.u32 s26, $0x1;
	_ =	strace $0x80000049;
	[dreg:$0x1] =	wrdreg $0xFFFFFFFF  }
0xa7: {  	s28 =	simm.s32 $_size_execute0_lowered;
	s2 =	sadd.s32 s2, s4;
	[dreg:$0x0] =	wrdreg $0x0  }
0xa8: {  	s4 =	sshll.u32 s28, $0x1;
	[dreg:$0x2] =	wrdreg s2  }
0xa9: {  	[dreg:$0x3] =	wrdreg s4  }
0xaa: {  	[dreg:$0x4] =	wrdreg $0xC0  }
0xab: {  	_ =	task [dreg:s6], $0x5FFFF  }
0xac: {  	[dreg:$0x1] =	wrdreg $0xFFFFFFFF  }
0xad: {  	[dreg:$0x0] =	wrdreg $0x60  }
0xae: {  	[dreg:$0x2] =	wrdreg s24  }
0xaf: {  	[dreg:$0x3] =	wrdreg $0x15C400  }
0xb0: {  	[dreg:$0x4] =	wrdreg $0x9  }
0xb1: {  	_ =	task.clear_ibuf [dreg:s6], $0x5FFFF;
	_ =	strace $0x90000049  }
0xb2: {  	s29 =	simm.s32 $0x9;
	_ =	strace $0x8000004B  }
0xb3: {  	_ =	swait.ge [sflag:s29], $0x1  }
0xb4: {  	[sflag:s29] =	ssyncadd.s32 $0xFFFFFFFF  }
0xb5: {  	_ =	strace $0x9000004B  }
0xb6: {  	_ =	sfence  }
0xb7: {  	s30 =	sld [smem:$0x0];
	_ =	sdelay $0x2  }
0xb8: {  	s31 =	sshll.u32 s1, $0xD;
	s1 =	sshrl.u32 s1, $0x2  }
0xb9: {  	s3 =	sand.u32 $0x4000, s31;
	s1 =	sadd.s32 s1, s30  }
0xba: {  	s0 =	sor.u32 s3, s0;
	s1 =	sshll.u32 s1, $0x11  }
0xbb: {  	s0 =	sor.u32 s1, s0  }
0xbc: {  	s0 =	sadd.s32 $0x8F2B, s0  }
0xbd: {  	[sflag:s0] =	ssyncadd.remote.s32 $0x1  }
0xbe: {  	_ =	sfence.sel $0xFFFF  }
0xbf: {  	[dreg:$0x0] =	wrdreg $0xFFFFFFFF;
	(pc) =	sbr.abs _section_cstart, $3  }
0xc0: {  	[dreg:$0x1] =	wrdreg $0xFFFFFFFF  }
0xc1: {  	_ =	task.clear_ibuf [dreg:s6], $0x2FFFF;
	_ =	strace $0x9FFFFFFF  }
0xc2: {  	(tm) =	ssettm $0x7FFFFFFF  }
0xc3: {  	_ =	shalt  }
tec
execute0_lowered:
.L_overlay_start_1:
0x0: {  	(tag) =	ssettag $0x1  }
0x1: {  	s0 =	rddreg [dreg:$0x0]  }
0x2: {  	s2 =	rddreg [dreg:$0x1];
	s8 =	stileid.u32  }
0x3: {  	s1 =	srdreg.scid;
	s3 =	simm.s32 $0x0;
	s14 =	simm.s32 $0x13C40  }
0x4: {  	s15 =	simm.s32 $0xB;
	s16 =	simm.s32 $0x5000;
	s17 =	simm.s32 $0x7D  }
0x5: {  	s18 =	simm.s32 $0xA000;
	s28 =	simm.s32 $0xFDC0;
	s4 =	smul.u32 $0xA00, s8  }
0x6: {  	s29 =	simm.s32 $0x3;
	s31 =	simm.s32 $0x7;
	s6 =	smul.u32 $0xA000, s8  }
0x7: {  	s30 =	simm.s32 $0x9;
	s1 =	sand.u32 $0x1, s1;
	s8 =	smul.u32 $0x28000, s8  }
0x8: {  	s19 =	simm.s32 $0xA;
	[smem:$0x7FF] =	sst s3;
	s5 =	smul.u32 $0xA0000, s1  }
0x9: {  	_ =	strace $0x8000004A;
	s1 =	ssub.s32 $0x2, s1;
	s7 =	sadd.s32 s4, s0  }
0xa: {  	s22 =	sshrl.u32 s1, $0x1;
	s8 =	sshrl.u32 s8, $0x2;
	s20 =	sshrl.u32 s5, $0x3  }
0xb: {  	s21 =	sadd.s32 s6, s5;
	s1 =	ssub.s32 s1, s22;
	s23 =	sadd.s32 s8, s2  }
0xc: {  	s9 =	sadd.s32 $0x15E00, s7;
	s10 =	sadd.s32 $0xBE00, s7;
	s22 =	simm.s32 $0x6  }
0xd: {  	s11 =	sadd.s32 s20, s0;
	s4 =	sshrl.u32 s21, $0x3;
	s24 =	sadd.s32 $0x2000, s23  }
0xe: {  	s25 =	sadd.s32 $0x4000, s23;
	s26 =	sadd.s32 $0x6000, s23;
	s5 =	sadd.s32 $0x8000, s23  }
0xf: {  	s13 =	smax.u32 s1, $0x1;
	s20 =	simm.s32 $0xBF40;
	[dreg:$0x3] =	wrdreg s24  }
.Ltmp0:
0x10: {  	s21 =	simm.s32 $0x1;
	[dreg:$0x4] =	wrdreg s25;
	(pc) =	sbr.rel .LBB2_1-.Ltmp0, $4  }
0x11: {  	s23 =	simm.s32 $0xDE80;
	s1 =	simm.s32 $0x4;
	[dreg:$0x5] =	wrdreg s26  }
0x12: {  	s0 =	sadd.s32 s4, s0;
	s4 =	sadd.s32 s6, s2;
	[dreg:$0x6] =	wrdreg s5  }
0x13: {  	s11 =	sadd.s32 $0x6FE00, s11;
	s24 =	simm.s32 $0x2;
	s26 =	simm.s32 $0x5  }
0x14: {  	v0 =	vimm.f32 $0.0e+00;
	s25 =	simm.s32 $0x8;
	s12 =	sadd.s32 $0x97E00, s0;
	s0 =	simm.s32 $0x11D00  }
.LBB2_6:
0x15: {  	_ =	swait.ge [sflag:s26], $0x1F40  }
0x16: {  	[sflag:s26] =	ssyncset.done $0x0  }
0x17: {  	[sflag:s26] =	ssyncadd.s32 $0xFFFFE0C0  }
0x18: {  	[spmem:s2] =	stream.indirect.scatter.add.f32 [tilespmem:s0], [sflag:$0xA], $0x40, s7, s17, $0xb8;
	[tilespmem:$0x1FC40] =	vst v63  }
0x19: {  	_ =	swait.ge [sflag:s31], $0x1F40  }
0x1a: {  	[sflag:s31] =	ssyncset.done $0x0  }
0x1b: {  	[sflag:s31] =	ssyncadd.s32 $0xFFFFE0C0  }
0x1c: {  	_ =	swait.ge [sflag:s25], $0x1F40  }
0x1d: {  	[sflag:s25] =	ssyncset.done $0x0  }
0x1e: {  	[sflag:s25] =	ssyncadd.s32 $0xFFFFE0C0  }
0x1f: {  	_ =	swait.ge [sflag:s30], $0x1F40  }
0x20: {  	[sflag:s30] =	ssyncset.done $0x0  }
0x21: {  	[sflag:s30] =	ssyncadd.s32 $0xFFFFE0C0  }
0x22: {  	s5 =	stileid.u32;
	_ =	swait.ge [sflag:s19], $0x1F40  }
0x23: {  	s6 =	sshrl.u32 s4, $0x3;
	s3 =	sadd.s32 $0x1, s3;
	[sflag:s19] =	ssyncset.done $0x0  }
0x24: {  	s5 =	sshll.u32 s5, $0x6;
	p0 =	sne.s32 s3, s13;
	[sflag:s19] =	ssyncadd.s32 $0xFFFFE0C0  }
.Ltmp1:
0x25: {  	s5 =	sor.u32 $0x1C0B, s5;
	[bflag:$0x0] =	sbarrier.arrive $0xFFFF;
	(pc) =	sbr.rel @!p0 .LBB2_7-.Ltmp1, $4  }
0x26: {  	[hbm:s12], [sflag:s5] =	dma.local [spmem:s6], $0x1400  }
0x27: {  	_ =	swait.ge [sflag:s15], $0x1400  }
0x28: {  	[sflag:s15] =	ssyncset.done $0x0  }
0x29: {  	[sflag:s15] =	ssyncadd.s32 $0xFFFFEC00  }
.LBB2_1:
0x2a: {  	s6 =	simm.s32 $0x100;
	s5 =	simm.s32 $0x0  }
.LBB2_2:
0x2b: {  	p0 =	sne.s32 s6, $0x7F00;
	[tilespmem:s5+$0x13C70] =	vst v0;
	s7 =	smov.u32 s6;
	s6 =	sadd.s32 $0x100, s6  }
.Ltmp2:
0x2c: {  	[tilespmem:s5+$0x13C60] =	vst v0;
	(pc) =	sbr.rel @p0 .LBB2_2-.Ltmp2, $3  }
0x2d: {  	[tilespmem:s5+$0x13C40] =	vst v0  }
0x2e: {  	[tilespmem:s5+$0x13C50] =	vst v0;
	_ =	sdelay $0x1  }
0x2f: {  	s5 =	sshra.s32 s7, $0x2  }
0x30: {  	[tilespmem:s5+$0x13C70] =	vst v0  }
0x31: {  	[tilespmem:s5+$0x13C60] =	vst v0  }
0x32: {  	[tilespmem:s5+$0x13C40] =	vst v0  }
0x33: {  	[tilespmem:s5+$0x13C50] =	vst v0  }
0x34: {  	[spmem:s4] =	stream.linear.scatter [tilespmem:s14], [sflag:$0xB], $0x2000, $0x38;
	[tilespmem:$0x1FC40] =	vst v63  }
0x35: {  	_ =	swait.ge [sflag:s15], $0x2000  }
0x36: {  	[sflag:s15] =	ssyncset.done $0x0  }
0x37: {  	s7 =	rddreg [dreg:$0x3];
	[sflag:s15] =	ssyncadd.s32 $0xFFFFE000  }
0x38: {  	[spmem:s7] =	stream.linear.scatter [tilespmem:s14], [sflag:$0xB], $0x2000, $0x38;
	[tilespmem:$0x1FC40] =	vst v63  }
0x39: {  	_ =	swait.ge [sflag:s15], $0x2000  }
0x3a: {  	[sflag:s15] =	ssyncset.done $0x0  }
0x3b: {  	s8 =	rddreg [dreg:$0x4];
	[sflag:s15] =	ssyncadd.s32 $0xFFFFE000  }
0x3c: {  	[spmem:s8] =	stream.linear.scatter [tilespmem:s14], [sflag:$0xB], $0x2000, $0x38;
	[tilespmem:$0x1FC40] =	vst v63  }
0x3d: {  	_ =	swait.ge [sflag:s15], $0x2000  }
0x3e: {  	[sflag:s15] =	ssyncset.done $0x0  }
0x3f: {  	s6 =	rddreg [dreg:$0x5];
	[sflag:s15] =	ssyncadd.s32 $0xFFFFE000  }
0x40: {  	[spmem:s6] =	stream.linear.scatter [tilespmem:s14], [sflag:$0xB], $0x2000, $0x38;
	[tilespmem:$0x1FC40] =	vst v63  }
0x41: {  	_ =	swait.ge [sflag:s15], $0x2000  }
0x42: {  	[sflag:s15] =	ssyncset.done $0x0  }
0x43: {  	s7 =	rddreg [dreg:$0x6];
	[sflag:s15] =	ssyncadd.s32 $0xFFFFE000  }
0x44: {  	[spmem:s7] =	stream.linear.scatter [tilespmem:s14], [sflag:$0xB], $0x2000, $0x38;
	[tilespmem:$0x1FC40] =	vst v63  }
0x45: {  	_ =	swait.ge [sflag:s15], $0x2000  }
0x46: {  	[sflag:s15] =	ssyncset.done $0x0  }
0x47: {  	s5 =	simm.s32 $0x0;
	[sflag:s15] =	ssyncadd.s32 $0xFFFFE000  }
0x48: {  	[tilespmem:s5], [sflag:$0xB] =	stream.linear.gather [hbm4b:s9+s5], $0x5000, $0x38;
	[tilespmem:$0x1FC40] =	vst v63  }
0x49: {  	_ =	swait.ge [sflag:s15], $0x5000  }
0x4a: {  	[sflag:s15] =	ssyncset.done $0x0  }
0x4b: {  	[sflag:s15] =	ssyncadd.s32 $0xFFFFB000  }
0x4c: {  	[tilespmem:s16], [sflag:$0xB] =	stream.linear.gather [hbm4b:s10+s5], $0x5000, $0x38;
	[tilespmem:$0x1FC40] =	vst v63  }
0x4d: {  	_ =	swait.ge [sflag:s15], $0x5000  }
0x4e: {  	[sflag:s15] =	ssyncset.done $0x0  }
0x4f: {  	[sflag:s15] =	ssyncadd.s32 $0xFFFFB000  }
0x50: {  	[tilespmem:s18], [sflag:$0x1] =	stream.indirect.gather [hbm4b:s11+s17], $0x40, s5, s17, $0xb8;
	[tilespmem:$0x1FC40] =	vst v63  }
0x51: {  	s6 =	simm.s32 $0x80  }
0x52: {  	[tilespmem:s20], [sflag:$0x2] =	stream.indirect.gather [hbm4b:s11+s17], $0x40, s6, s17, $0xb8;
	[tilespmem:$0x1FC40] =	vst v63  }
0x53: {  	[bflag:$0x0] =	sbarrier.arrive $0xFFFF  }
0x54: {  	_ =	swait.ge [sflag:s21], $0x1F40  }
0x55: {  	[sflag:s21] =	ssyncset.done $0x0  }
0x56: {  	[sflag:s21] =	ssyncadd.s32 $0xFFFFE0C0  }
0x57: {  	[spmem:s2] =	stream.indirect.scatter.add.f32 [tilespmem:s18], [sflag:$0x6], $0x40, s16, s17, $0xb8;
	[tilespmem:$0x1FC40] =	vst v63  }
0x58: {  	s8 =	simm.s32 $0x100  }
0x59: {  	[tilespmem:s23], [sflag:$0x3] =	stream.indirect.gather [hbm4b:s11+s17], $0x40, s8, s17, $0xb8;
	[tilespmem:$0x1FC40] =	vst v63  }
0x5a: {  	_ =	swait.ge [sflag:s24], $0x1F40  }
0x5b: {  	[sflag:s24] =	ssyncset.done $0x0  }
0x5c: {  	s7 =	simm.s32 $0x5080;
	[sflag:s24] =	ssyncadd.s32 $0xFFFFE0C0  }
0x5d: {  	[spmem:s2] =	stream.indirect.scatter.add.f32 [tilespmem:s20], [sflag:$0x7], $0x40, s7, s17, $0xb8;
	[tilespmem:$0x1FC40] =	vst v63  }
0x5e: {  	s8 =	simm.s32 $0x180  }
0x5f: {  	[tilespmem:s28], [sflag:$0x4] =	stream.indirect.gather [hbm4b:s11+s17], $0x40, s8, s17, $0xb8;
	[tilespmem:$0x1FC40] =	vst v63  }
0x60: {  	_ =	swait.ge [sflag:s29], $0x1F40  }
0x61: {  	[sflag:s29] =	ssyncset.done $0x0  }
0x62: {  	s7 =	simm.s32 $0x5100;
	[sflag:s29] =	ssyncadd.s32 $0xFFFFE0C0  }
0x63: {  	[spmem:s2] =	stream.indirect.scatter.add.f32 [tilespmem:s23], [sflag:$0x8], $0x40, s7, s17, $0xb8;
	[tilespmem:$0x1FC40] =	vst v63  }
0x64: {  	s8 =	simm.s32 $0x200  }
0x65: {  	[tilespmem:s0], [sflag:$0x5] =	stream.indirect.gather [hbm4b:s11+s17], $0x40, s8, s17, $0xb8;
	[tilespmem:$0x1FC40] =	vst v63  }
0x66: {  	_ =	swait.ge [sflag:s1], $0x1F40  }
0x67: {  	[sflag:s1] =	ssyncset.done $0x0  }
0x68: {  	s7 =	simm.s32 $0x5180;
	[sflag:s1] =	ssyncadd.s32 $0xFFFFE0C0  }
0x69: {  	[spmem:s2] =	stream.indirect.scatter.add.f32 [tilespmem:s28], [sflag:$0x9], $0x40, s7, s17, $0xb8;
	[tilespmem:$0x1FC40] =	vst v63  }
0x6a: {  	_ =	swait.ge [sflag:s22], $0x1F40  }
0x6b: {  	[sflag:s22] =	ssyncset.done $0x0  }
0x6c: {  	s8 =	simm.s32 $0x280;
	[sflag:s22] =	ssyncadd.s32 $0xFFFFE0C0  }
0x6d: {  	[tilespmem:s18], [sflag:$0x1] =	stream.indirect.gather [hbm4b:s11+s17], $0x40, s8, s17, $0xb8;
	[tilespmem:$0x1FC40] =	vst v63  }
0x6e: {  	_ =	swait.ge [sflag:s26], $0x1F40  }
0x6f: {  	[sflag:s26] =	ssyncset.done $0x0  }
0x70: {  	s7 =	simm.s32 $0x5200;
	[sflag:s26] =	ssyncadd.s32 $0xFFFFE0C0  }
0x71: {  	[spmem:s2] =	stream.indirect.scatter.add.f32 [tilespmem:s0], [sflag:$0xA], $0x40, s7, s17, $0xb8;
	[tilespmem:$0x1FC40] =	vst v63  }
0x72: {  	_ =	swait.ge [sflag:s31], $0x1F40  }
0x73: {  	[sflag:s31] =	ssyncset.done $0x0  }
0x74: {  	s8 =	simm.s32 $0x300;
	[sflag:s31] =	ssyncadd.s32 $0xFFFFE0C0  }
0x75: {  	[tilespmem:s20], [sflag:$0x2] =	stream.indirect.gather [hbm4b:s11+s17], $0x40, s8, s17, $0xb8;
	[tilespmem:$0x1FC40] =	vst v63  }
.LBB2_4:
0x76: {  	_ =	swait.ge [sflag:s21], $0x1F40  }
0x77: {  	s6 =	sshra.s32 s5, $0x2;
	[sflag:s21] =	ssyncset.done $0x0  }
0x78: {  	s7 =	sadd.s32 $0x5280, s6;
	[sflag:s21] =	ssyncadd.s32 $0xFFFFE0C0  }
0x79: {  	[spmem:s2] =	stream.indirect.scatter.add.f32 [tilespmem:s18], [sflag:$0x6], $0x40, s7, s17, $0xb8;
	[tilespmem:$0x1FC40] =	vst v63  }
0x7a: {  	_ =	swait.ge [sflag:s25], $0x1F40  }
0x7b: {  	[sflag:s25] =	ssyncset.done $0x0  }
0x7c: {  	s8 =	sadd.s32 $0x380, s6;
	[sflag:s25] =	ssyncadd.s32 $0xFFFFE0C0  }
0x7d: {  	[tilespmem:s23], [sflag:$0x3] =	stream.indirect.gather [hbm4b:s11+s17], $0x40, s8, s17, $0xb8;
	[tilespmem:$0x1FC40] =	vst v63  }
0x7e: {  	_ =	swait.ge [sflag:s24], $0x1F40  }
0x7f: {  	[sflag:s24] =	ssyncset.done $0x0  }
0x80: {  	s8 =	sadd.s32 $0x5300, s6;
	[sflag:s24] =	ssyncadd.s32 $0xFFFFE0C0  }
0x81: {  	[spmem:s2] =	stream.indirect.scatter.add.f32 [tilespmem:s20], [sflag:$0x7], $0x40, s8, s17, $0xb8;
	[tilespmem:$0x1FC40] =	vst v63  }
0x82: {  	_ =	swait.ge [sflag:s30], $0x1F40  }
0x83: {  	[sflag:s30] =	ssyncset.done $0x0  }
0x84: {  	s8 =	sadd.s32 $0x400, s6;
	[sflag:s30] =	ssyncadd.s32 $0xFFFFE0C0  }
0x85: {  	[tilespmem:s28], [sflag:$0x4] =	stream.indirect.gather [hbm4b:s11+s17], $0x40, s8, s17, $0xb8;
	[tilespmem:$0x1FC40] =	vst v63  }
0x86: {  	_ =	swait.ge [sflag:s29], $0x1F40  }
0x87: {  	[sflag:s29] =	ssyncset.done $0x0  }
0x88: {  	s8 =	sadd.s32 $0x5380, s6;
	[sflag:s29] =	ssyncadd.s32 $0xFFFFE0C0  }
0x89: {  	[spmem:s2] =	stream.indirect.scatter.add.f32 [tilespmem:s23], [sflag:$0x8], $0x40, s8, s17, $0xb8;
	[tilespmem:$0x1FC40] =	vst v63  }
0x8a: {  	_ =	swait.ge [sflag:s19], $0x1F40  }
0x8b: {  	[sflag:s19] =	ssyncset.done $0x0  }
0x8c: {  	s8 =	sadd.s32 $0x480, s6;
	[sflag:s19] =	ssyncadd.s32 $0xFFFFE0C0  }
0x8d: {  	[tilespmem:s0], [sflag:$0x5] =	stream.indirect.gather [hbm4b:s11+s17], $0x40, s8, s17, $0xb8;
	[tilespmem:$0x1FC40] =	vst v63  }
0x8e: {  	_ =	swait.ge [sflag:s1], $0x1F40  }
0x8f: {  	p0 =	seq.s32 s5, $0x12C00;
	[sflag:s1] =	ssyncset.done $0x0  }
.Ltmp3:
0x90: {  	s8 =	sadd.s32 $0x5400, s6;
	[sflag:s1] =	ssyncadd.s32 $0xFFFFE0C0;
	(pc) =	sbr.rel @p0 .LBB2_6-.Ltmp3, $4  }
0x91: {  	[spmem:s2] =	stream.indirect.scatter.add.f32 [tilespmem:s28], [sflag:$0x9], $0x40, s8, s17, $0xb8;
	[tilespmem:$0x1FC40] =	vst v63  }
0x92: {  	_ =	swait.ge [sflag:s22], $0x1F40  }
0x93: {  	[sflag:s22] =	ssyncset.done $0x0  }
0x94: {  	s7 =	sadd.s32 $0x5480, s6;
	[sflag:s22] =	ssyncadd.s32 $0xFFFFE0C0  }
0x95: {  	s8 =	sadd.s32 $0x500, s6  }
0x96: {  	[tilespmem:s18], [sflag:$0x1] =	stream.indirect.gather [hbm4b:s11+s17], $0x40, s8, s17, $0xb8;
	[tilespmem:$0x1FC40] =	vst v63  }
0x97: {  	_ =	swait.ge [sflag:s26], $0x1F40  }
0x98: {  	[sflag:s26] =	ssyncset.done $0x0  }
0x99: {  	[sflag:s26] =	ssyncadd.s32 $0xFFFFE0C0  }
0x9a: {  	[spmem:s2] =	stream.indirect.scatter.add.f32 [tilespmem:s0], [sflag:$0xA], $0x40, s7, s17, $0xb8;
	[tilespmem:$0x1FC40] =	vst v63  }
.Ltmp4:
0x9b: {  	_ = 	snop;
	(pc) =	sbr.rel .LBB2_4-.Ltmp4, $4  }
0x9c: {  	_ =	swait.ge [sflag:s31], $0x1F40  }
0x9d: {  	[sflag:s31] =	ssyncset.done $0x0  }
0x9e: {  	s5 =	sadd.s32 $0xA00, s5;
	s8 =	sadd.s32 $0x580, s6;
	[sflag:s31] =	ssyncadd.s32 $0xFFFFE0C0  }
0x9f: {  	[tilespmem:s20], [sflag:$0x2] =	stream.indirect.gather [hbm4b:s11+s17], $0x40, s8, s17, $0xb8;
	[tilespmem:$0x1FC40] =	vst v63  }
.LBB2_7:
0xa0: {  	_ =	sfence.sel $0x180000  }
0xa1: {  	[bflag:$0x0] =	sbarrier.arrive $0xFFFF  }
0xa2: {  	_ =	strace $0x9000004A  }
0xa3: {  	s0 =	stileid.u32;
	[bflag:$0x2] =	sbarrier.arrive $0xFFFF  }
0xa4: {  	p0 =	sne.s32 s0, $0x0;
	s0 =	rddreg [dreg:$0x2]  }
0xa5: {  	s0 =	sadd.s32 @!p0 $0x100000, s0  }
0xa6: {  	[sflag:s0] =	ssyncadd.tile.s32 @!p0 $0x1;
	_ =	shalt  }
.Lfunc_end2:
_tile_overlayer_lowered:
.L_overlay_start_2:
0xa7: {  	(tag) =	ssettag $0x2  }
0xa8: {  	s0 =	rddreg [dreg:$0x0];
	s2 =	stileid.u32  }
0xa9: {  	s1 =	rddreg [dreg:$0x1];
	p0 =	sne.s32 s2, $0x0  }
0xaa: {  	s3 =	rddreg [dreg:$0x2];
	[bflag:$0x3] =	sbarrier.arrive $0xFFFF;
	s2 =	simm.s32 @!p0 $0x1C0B  }
0xab: {  	[timem:s3], [sflag:s2] =	dma.local @!p0 [hbm:s0], s1  }
0xac: {  	s0 =	simm.s32 @!p0 $0xB  }
0xad: {  	_ =	swait.ge @!p0 [sflag:s0], s1  }
0xae: {  	s1 =	ssub.s32 @!p0 $0x0, s1;
	[sflag:s0] =	ssyncset.done @!p0 $0x0  }
0xaf: {  	[sflag:s0] =	ssyncadd.s32 @!p0 s1  }
0xb0: {  	[bflag:$0x3] =	sbarrier.arrive $0xFFFF  }
0xb1: {  	_ =	shalt  }

</sc_bundles>
